<compile_context>
chip_gen: v7x
topology: tpu7x:2x2x1
jax: 0.10.2.dev20260603
libtpu: 0.0.44.dev20260713+nightly
codegen_flags: <defaults>
</compile_context>

<pallas_src>
import jax
import jax.numpy as jnp
from jax import lax
from jax.experimental import pallas as pl
from jax.experimental.pallas import tpu as pltpu
from jax.experimental.pallas import tpu_sc as plsc

D = 64
LANE = 128
NC, NS = 2, 16
NW = NC * NS
NB = 5


def _emb_body(idx_hbm, w_hbm, out_hbm, idx_v, rows_v, gsem, osem):
    tok_rows = idx_hbm.shape[0]
    rpw = tok_rows // NW

    c = lax.axis_index("c")
    s = lax.axis_index("s")
    wid = s * NC + c
    base = wid * rpw

    def start(g, b, first=False):
        pltpu.sync_copy(idx_hbm.at[pl.ds(base + g, 1)],
                        idx_v.at[pl.ds(b, 1)])
        if not first:
            pltpu.make_async_copy(rows_v.at[pl.ds(b, 1)],
                                  out_hbm.at[pl.ds(0, 1)], osem.at[b]).wait()
        pltpu.async_copy(w_hbm.at[idx_v.at[b]], rows_v.at[b], gsem.at[b])

    def finish(g, b):
        pltpu.make_async_copy(w_hbm.at[pl.ds(0, LANE)], rows_v.at[b],
                              gsem.at[b]).wait()
        pltpu.async_copy(rows_v.at[pl.ds(b, 1)],
                         out_hbm.at[pl.ds(base + g, 1)], osem.at[b])

    for b in range(NB):
        start(b, b, first=True)

    def loop_body(i, carry):
        g = NB * i
        for b in range(NB):
            finish(g + b, b)
            start(g + NB + b, b)
        return carry

    lax.fori_loop(0, rpw // NB - 1, loop_body, 0)
    for b in range(NB):
        finish(rpw - NB + b, b)
    for b in range(NB):
        pltpu.make_async_copy(rows_v.at[pl.ds(b, 1)], out_hbm.at[pl.ds(0, 1)],
                              osem.at[b]).wait()


def kernel(tokens, weight):
    b0, b1 = tokens.shape
    vocab = weight.shape[0]
    tok_rows = (b0 * b1) // LANE
    idx = tokens.reshape(tok_rows, LANE)
    w128 = jnp.pad(weight, ((0, 0), (0, LANE - D)))
    mesh = plsc.VectorSubcoreMesh(core_axis_name="c", subcore_axis_name="s",
                                  num_cores=NC, num_subcores=NS)
    out = pl.kernel(
        _emb_body,
        out_type=jax.ShapeDtypeStruct((tok_rows, LANE, LANE), jnp.float32),
        mesh=mesh,
        scratch_types=[
            pltpu.VMEM((NB, LANE), jnp.int32),
            pltpu.VMEM((NB, LANE, LANE), jnp.float32),
            pltpu.SemaphoreType.DMA((NB,)),
            pltpu.SemaphoreType.DMA((NB,)),
        ],
    )(idx, w128)
    return out[:, :, :D].reshape(b0, b1, D)

# --- scband reference (transcript-rebuilt; emitter-appended) ---
"""Pipeline reference for scband-token-embedding-1709396983976 (READ-ONLY COPY).

The authoritative reference and input builder live on the scoring server;
editing this copy changes nothing except your own understanding.
"""

import jax, jax.numpy as jnp
import numpy as np

VOCAB = 1000000
D_MODEL = 64
PAD_IDX = 1


def setup_inputs(seed: int = 0) -> dict:
    key = jax.random.key(seed)
    k1, k2 = jax.random.split(key)
    tokens = jax.random.randint(k1, (4096, 200), 0, VOCAB, dtype=jnp.int32)
    # Embedding table parameter (nn.Embedding weight), padding_idx row zeroed at init
    weight = jax.random.normal(k2, (VOCAB, D_MODEL), dtype=jnp.float32)
    weight = weight.at[PAD_IDX].set(0.0)
    return {"tokens": tokens, "weight": weight}


def reference(tokens, weight):
    # TokenEmbedding subclasses nn.Embedding(vocab_size, d_model, padding_idx=1):
    # forward is a plain row-gather from the embedding table, with the padding row
    # pinned to zero.
    w = weight.at[PAD_IDX].set(0.0)
    return jnp.take(w, tokens, axis=0)

if __name__ == "__main__":
    import jax
    _d = setup_inputs()
    print(jax.jit(kernel)(*tuple(_d.values())))

</pallas_src>

<mosaic_0001>
#map = affine_map<(d0, d1) -> (0, 0)>
#map1 = affine_map<(d0, d1) -> (0, 0, 0)>
module attributes {stable_mosaic.version = 14 : i64} {
  func.func @_emb_body(%arg0: i32, %arg1: i32, %arg2: memref<6400x128xi32, #tpu.memory_space<hbm>>, %arg3: memref<1000000x128xf32, #tpu.memory_space<hbm>>, %arg4: memref<6400x128x128xf32, #tpu.memory_space<hbm>>, %arg5: memref<5x128xi32, #tpu.memory_space<vmem>>, %arg6: memref<5x128x128xf32, #tpu.memory_space<vmem>>, %arg7: memref<5x!tpu.dma_semaphore, #tpu.memory_space<semaphore_mem>>, %arg8: memref<5x!tpu.dma_semaphore, #tpu.memory_space<semaphore_mem>>) attributes {dimension_semantics = [#tpu.dimension_semantics<core_parallel>, #tpu.dimension_semantics<subcore_parallel>], iteration_bounds = array<i64: 2, 16>, scalar_prefetch = 0 : i64, scratch_operands = 4 : i64, tpu.core_type = #tpu.core_type<sc_vector_subcore>, window_params = [{transform_indices = #map}, {transform_indices = #map}, {transform_indices = #map1}]} {
    %mul3A = arith.constant 2 : i32
    %mul3A_0 = arith.muli %arg1, %mul3A : i32
    %add3A = arith.addi %mul3A_0, %arg0 : i32
    %mul3A_1 = arith.constant 200 : i32
    %mul3A_2 = arith.muli %add3A, %mul3A_1 : i32
    %add3A_3 = arith.constant 0 : i32
    %add3A_4 = arith.addi %mul3A_2, %add3A_3 : i32
    "tpu.region"() ({
      %run_scoped3A = tpu.sem_alloc : memref<!tpu.dma_semaphore, #tpu.memory_space<semaphore_mem>>
      %dma_start3A_371 = arith.constant 0 : i32
      %dma_start3A_372 = arith.constant 0 : i32
      %dma_start3A_373 = tpu.memref_slice %arg5[%dma_start3A_371, %dma_start3A_372] : memref<5x128xi32, #tpu.memory_space<vmem>> -> memref<1x128xi32, #tpu.memory_space<vmem>>
      %dma_start3A_374 = arith.constant 0 : i32
      %dma_start3A_375 = tpu.memref_slice %arg2[%add3A_4, %dma_start3A_374] : memref<6400x128xi32, #tpu.memory_space<hbm>> -> memref<1x128xi32, #tpu.memory_space<hbm>>
      %dma_start3A_376 = arith.constant 0 : i32
      %dma_start3A_377 = arith.constant 0 : i32
      %dma_start3A_378 = tpu.memref_slice %arg5[%dma_start3A_376, %dma_start3A_377] : memref<5x128xi32, #tpu.memory_space<vmem>> -> memref<1x128xi32, #tpu.memory_space<vmem>>
      %dma_start3A_379 = arith.constant 0 : i32
      %dma_start3A_380 = tpu.memref_slice %arg2[%add3A_4, %dma_start3A_379] : memref<6400x128xi32, #tpu.memory_space<hbm>> -> memref<1x128xi32, #tpu.memory_space<hbm>>
      tpu.enqueue_dma source(%dma_start3A_380 : memref<1x128xi32, #tpu.memory_space<hbm>>) target(%dma_start3A_378 : memref<1x128xi32, #tpu.memory_space<vmem>>) target_semaphore(%run_scoped3A : memref<!tpu.dma_semaphore, #tpu.memory_space<semaphore_mem>>)
      %dma_wait3A_381 = arith.constant 0 : i32
      %dma_wait3A_382 = arith.constant 0 : i32
      %dma_wait3A_383 = tpu.memref_slice %arg5[%dma_wait3A_381, %dma_wait3A_382] : memref<5x128xi32, #tpu.memory_space<vmem>> -> memref<1x128xi32, #tpu.memory_space<vmem>>
      %dma_wait3A_384 = arith.constant 0 : i32
      %dma_wait3A_385 = tpu.memref_slice %arg2[%add3A_4, %dma_wait3A_384] : memref<6400x128xi32, #tpu.memory_space<hbm>> -> memref<1x128xi32, #tpu.memory_space<hbm>>
      %dma_wait3A_386 = arith.constant 0 : i32
      %dma_wait3A_387 = arith.constant 0 : i32
      %dma_wait3A_388 = tpu.memref_slice %arg5[%dma_wait3A_386, %dma_wait3A_387] : memref<5x128xi32, #tpu.memory_space<vmem>> -> memref<1x128xi32, #tpu.memory_space<vmem>>
      %dma_wait3A_389 = arith.constant 0 : i32
      %dma_wait3A_390 = tpu.memref_slice %arg2[%add3A_4, %dma_wait3A_389] : memref<6400x128xi32, #tpu.memory_space<hbm>> -> memref<1x128xi32, #tpu.memory_space<hbm>>
      tpu.wait_dma2 semaphore(%run_scoped3A : memref<!tpu.dma_semaphore, #tpu.memory_space<semaphore_mem>>) src(%dma_wait3A_390 : memref<1x128xi32, #tpu.memory_space<hbm>>) dst(%dma_wait3A_388 : memref<1x128xi32, #tpu.memory_space<vmem>>)
      tpu.yield
    }) : () -> ()
    %dma_start3A = arith.constant 0 : i32
    %dma_start3A_5 = arith.constant 0 : i32
    %dma_start3A_6 = arith.constant 0 : i32
    %dma_start3A_7 = arith.constant 0 : i32
    %dma_start3A_8 = arith.constant 0 : i32
    %dma_start3A_9 = tpu.memref_slice %arg6[%dma_start3A_5, %dma_start3A_7, %dma_start3A_8] : memref<5x128x128xf32, #tpu.memory_space<vmem>> -> memref<1x128x128xf32, #tpu.memory_space<vmem>>
    %dma_start3A_10 = tpu.memref_squeeze %dma_start3A_9 : memref<1x128x128xf32, #tpu.memory_space<vmem>> -> memref<128x128xf32, #tpu.memory_space<vmem>>
    %dma_start3A_11 = arith.constant 0 : i32
    %dma_start3A_12 = tpu.memref_slice %arg5[%dma_start3A, %dma_start3A_11] : memref<5x128xi32, #tpu.memory_space<vmem>> -> memref<1x128xi32, #tpu.memory_space<vmem>>
    %dma_start3A_13 = tpu.memref_squeeze %dma_start3A_12 : memref<1x128xi32, #tpu.memory_space<vmem>> -> memref<128xi32, #tpu.memory_space<vmem>>
    %dma_start3A_14 = arith.constant 0 : i32
    %dma_start3A_15 = arith.constant 0 : i32
    %dma_start3A_16 = tpu.memref_slice %arg3[%dma_start3A_14, %dma_start3A_15] : memref<1000000x128xf32, #tpu.memory_space<hbm>> -> memref<1000000x128xf32, #tpu.memory_space<hbm>>
    %dma_start3A_17 = tpu.memref_slice %arg7[%dma_start3A_6] : memref<5x!tpu.dma_semaphore, #tpu.memory_space<semaphore_mem>> -> memref<1x!tpu.dma_semaphore, #tpu.memory_space<semaphore_mem>>
    %dma_start3A_18 = tpu.memref_squeeze %dma_start3A_17 : memref<1x!tpu.dma_semaphore, #tpu.memory_space<semaphore_mem>> -> memref<!tpu.dma_semaphore, #tpu.memory_space<semaphore_mem>>
    tpu.enqueue_indirect_dma source(%dma_start3A_16 : memref<1000000x128xf32, #tpu.memory_space<hbm>>) target(%dma_start3A_10 : memref<128x128xf32, #tpu.memory_space<vmem>>) offsets(%dma_start3A_13 : memref<128xi32, #tpu.memory_space<vmem>>) semaphore(%dma_start3A_18 : memref<!tpu.dma_semaphore, #tpu.memory_space<semaphore_mem>>)
    %add3A_19 = arith.constant 1 : i32
    %add3A_20 = arith.addi %mul3A_2, %add3A_19 : i32
    "tpu.region"() ({
      %run_scoped3A = tpu.sem_alloc : memref<!tpu.dma_semaphore, #tpu.memory_space<semaphore_mem>>
      %dma_start3A_371 = arith.constant 1 : i32
      %dma_start3A_372 = arith.constant 0 : i32
      %dma_start3A_373 = tpu.memref_slice %arg5[%dma_start3A_371, %dma_start3A_372] : memref<5x128xi32, #tpu.memory_space<vmem>> -> memref<1x128xi32, #tpu.memory_space<vmem>>
      %dma_start3A_374 = arith.constant 0 : i32
      %dma_start3A_375 = tpu.memref_slice %arg2[%add3A_20, %dma_start3A_374] : memref<6400x128xi32, #tpu.memory_space<hbm>> -> memref<1x128xi32, #tpu.memory_space<hbm>>
      %dma_start3A_376 = arith.constant 1 : i32
      %dma_start3A_377 = arith.constant 0 : i32
      %dma_start3A_378 = tpu.memref_slice %arg5[%dma_start3A_376, %dma_start3A_377] : memref<5x128xi32, #tpu.memory_space<vmem>> -> memref<1x128xi32, #tpu.memory_space<vmem>>
      %dma_start3A_379 = arith.constant 0 : i32
      %dma_start3A_380 = tpu.memref_slice %arg2[%add3A_20, %dma_start3A_379] : memref<6400x128xi32, #tpu.memory_space<hbm>> -> memref<1x128xi32, #tpu.memory_space<hbm>>
      tpu.enqueue_dma source(%dma_start3A_380 : memref<1x128xi32, #tpu.memory_space<hbm>>) target(%dma_start3A_378 : memref<1x128xi32, #tpu.memory_space<vmem>>) target_semaphore(%run_scoped3A : memref<!tpu.dma_semaphore, #tpu.memory_space<semaphore_mem>>)
      %dma_wait3A_381 = arith.constant 1 : i32
      %dma_wait3A_382 = arith.constant 0 : i32
      %dma_wait3A_383 = tpu.memref_slice %arg5[%dma_wait3A_381, %dma_wait3A_382] : memref<5x128xi32, #tpu.memory_space<vmem>> -> memref<1x128xi32, #tpu.memory_space<vmem>>
      %dma_wait3A_384 = arith.constant 0 : i32
      %dma_wait3A_385 = tpu.memref_slice %arg2[%add3A_20, %dma_wait3A_384] : memref<6400x128xi32, #tpu.memory_space<hbm>> -> memref<1x128xi32, #tpu.memory_space<hbm>>
      %dma_wait3A_386 = arith.constant 1 : i32
      %dma_wait3A_387 = arith.constant 0 : i32
      %dma_wait3A_388 = tpu.memref_slice %arg5[%dma_wait3A_386, %dma_wait3A_387] : memref<5x128xi32, #tpu.memory_space<vmem>> -> memref<1x128xi32, #tpu.memory_space<vmem>>
      %dma_wait3A_389 = arith.constant 0 : i32
      %dma_wait3A_390 = tpu.memref_slice %arg2[%add3A_20, %dma_wait3A_389] : memref<6400x128xi32, #tpu.memory_space<hbm>> -> memref<1x128xi32, #tpu.memory_space<hbm>>
      tpu.wait_dma2 semaphore(%run_scoped3A : memref<!tpu.dma_semaphore, #tpu.memory_space<semaphore_mem>>) src(%dma_wait3A_390 : memref<1x128xi32, #tpu.memory_space<hbm>>) dst(%dma_wait3A_388 : memref<1x128xi32, #tpu.memory_space<vmem>>)
      tpu.yield
    }) : () -> ()
    %dma_start3A_21 = arith.constant 1 : i32
    %dma_start3A_22 = arith.constant 1 : i32
    %dma_start3A_23 = arith.constant 1 : i32
    %dma_start3A_24 = arith.constant 0 : i32
    %dma_start3A_25 = arith.constant 0 : i32
    %dma_start3A_26 = tpu.memref_slice %arg6[%dma_start3A_22, %dma_start3A_24, %dma_start3A_25] : memref<5x128x128xf32, #tpu.memory_space<vmem>> -> memref<1x128x128xf32, #tpu.memory_space<vmem>>
    %dma_start3A_27 = tpu.memref_squeeze %dma_start3A_26 : memref<1x128x128xf32, #tpu.memory_space<vmem>> -> memref<128x128xf32, #tpu.memory_space<vmem>>
    %dma_start3A_28 = arith.constant 0 : i32
    %dma_start3A_29 = tpu.memref_slice %arg5[%dma_start3A_21, %dma_start3A_28] : memref<5x128xi32, #tpu.memory_space<vmem>> -> memref<1x128xi32, #tpu.memory_space<vmem>>
    %dma_start3A_30 = tpu.memref_squeeze %dma_start3A_29 : memref<1x128xi32, #tpu.memory_space<vmem>> -> memref<128xi32, #tpu.memory_space<vmem>>
    %dma_start3A_31 = arith.constant 0 : i32
    %dma_start3A_32 = arith.constant 0 : i32
    %dma_start3A_33 = tpu.memref_slice %arg3[%dma_start3A_31, %dma_start3A_32] : memref<1000000x128xf32, #tpu.memory_space<hbm>> -> memref<1000000x128xf32, #tpu.memory_space<hbm>>
    %dma_start3A_34 = tpu.memref_slice %arg7[%dma_start3A_23] : memref<5x!tpu.dma_semaphore, #tpu.memory_space<semaphore_mem>> -> memref<1x!tpu.dma_semaphore, #tpu.memory_space<semaphore_mem>>
    %dma_start3A_35 = tpu.memref_squeeze %dma_start3A_34 : memref<1x!tpu.dma_semaphore, #tpu.memory_space<semaphore_mem>> -> memref<!tpu.dma_semaphore, #tpu.memory_space<semaphore_mem>>
    tpu.enqueue_indirect_dma source(%dma_start3A_33 : memref<1000000x128xf32, #tpu.memory_space<hbm>>) target(%dma_start3A_27 : memref<128x128xf32, #tpu.memory_space<vmem>>) offsets(%dma_start3A_30 : memref<128xi32, #tpu.memory_space<vmem>>) semaphore(%dma_start3A_35 : memref<!tpu.dma_semaphore, #tpu.memory_space<semaphore_mem>>)
    %add3A_36 = arith.constant 2 : i32
    %add3A_37 = arith.addi %mul3A_2, %add3A_36 : i32
    "tpu.region"() ({
      %run_scoped3A = tpu.sem_alloc : memref<!tpu.dma_semaphore, #tpu.memory_space<semaphore_mem>>
      %dma_start3A_371 = arith.constant 2 : i32
      %dma_start3A_372 = arith.constant 0 : i32
      %dma_start3A_373 = tpu.memref_slice %arg5[%dma_start3A_371, %dma_start3A_372] : memref<5x128xi32, #tpu.memory_space<vmem>> -> memref<1x128xi32, #tpu.memory_space<vmem>>
      %dma_start3A_374 = arith.constant 0 : i32
      %dma_start3A_375 = tpu.memref_slice %arg2[%add3A_37, %dma_start3A_374] : memref<6400x128xi32, #tpu.memory_space<hbm>> -> memref<1x128xi32, #tpu.memory_space<hbm>>
      %dma_start3A_376 = arith.constant 2 : i32
      %dma_start3A_377 = arith.constant 0 : i32
      %dma_start3A_378 = tpu.memref_slice %arg5[%dma_start3A_376, %dma_start3A_377] : memref<5x128xi32, #tpu.memory_space<vmem>> -> memref<1x128xi32, #tpu.memory_space<vmem>>
      %dma_start3A_379 = arith.constant 0 : i32
      %dma_start3A_380 = tpu.memref_slice %arg2[%add3A_37, %dma_start3A_379] : memref<6400x128xi32, #tpu.memory_space<hbm>> -> memref<1x128xi32, #tpu.memory_space<hbm>>
      tpu.enqueue_dma source(%dma_start3A_380 : memref<1x128xi32, #tpu.memory_space<hbm>>) target(%dma_start3A_378 : memref<1x128xi32, #tpu.memory_space<vmem>>) target_semaphore(%run_scoped3A : memref<!tpu.dma_semaphore, #tpu.memory_space<semaphore_mem>>)
      %dma_wait3A_381 = arith.constant 2 : i32
      %dma_wait3A_382 = arith.constant 0 : i32
      %dma_wait3A_383 = tpu.memref_slice %arg5[%dma_wait3A_381, %dma_wait3A_382] : memref<5x128xi32, #tpu.memory_space<vmem>> -> memref<1x128xi32, #tpu.memory_space<vmem>>
      %dma_wait3A_384 = arith.constant 0 : i32
      %dma_wait3A_385 = tpu.memref_slice %arg2[%add3A_37, %dma_wait3A_384] : memref<6400x128xi32, #tpu.memory_space<hbm>> -> memref<1x128xi32, #tpu.memory_space<hbm>>
      %dma_wait3A_386 = arith.constant 2 : i32
      %dma_wait3A_387 = arith.constant 0 : i32
      %dma_wait3A_388 = tpu.memref_slice %arg5[%dma_wait3A_386, %dma_wait3A_387] : memref<5x128xi32, #tpu.memory_space<vmem>> -> memref<1x128xi32, #tpu.memory_space<vmem>>
      %dma_wait3A_389 = arith.constant 0 : i32
      %dma_wait3A_390 = tpu.memref_slice %arg2[%add3A_37, %dma_wait3A_389] : memref<6400x128xi32, #tpu.memory_space<hbm>> -> memref<1x128xi32, #tpu.memory_space<hbm>>
      tpu.wait_dma2 semaphore(%run_scoped3A : memref<!tpu.dma_semaphore, #tpu.memory_space<semaphore_mem>>) src(%dma_wait3A_390 : memref<1x128xi32, #tpu.memory_space<hbm>>) dst(%dma_wait3A_388 : memref<1x128xi32, #tpu.memory_space<vmem>>)
      tpu.yield
    }) : () -> ()
    %dma_start3A_38 = arith.constant 2 : i32
    %dma_start3A_39 = arith.constant 2 : i32
    %dma_start3A_40 = arith.constant 2 : i32
    %dma_start3A_41 = arith.constant 0 : i32
    %dma_start3A_42 = arith.constant 0 : i32
    %dma_start3A_43 = tpu.memref_slice %arg6[%dma_start3A_39, %dma_start3A_41, %dma_start3A_42] : memref<5x128x128xf32, #tpu.memory_space<vmem>> -> memref<1x128x128xf32, #tpu.memory_space<vmem>>
    %dma_start3A_44 = tpu.memref_squeeze %dma_start3A_43 : memref<1x128x128xf32, #tpu.memory_space<vmem>> -> memref<128x128xf32, #tpu.memory_space<vmem>>
    %dma_start3A_45 = arith.constant 0 : i32
    %dma_start3A_46 = tpu.memref_slice %arg5[%dma_start3A_38, %dma_start3A_45] : memref<5x128xi32, #tpu.memory_space<vmem>> -> memref<1x128xi32, #tpu.memory_space<vmem>>
    %dma_start3A_47 = tpu.memref_squeeze %dma_start3A_46 : memref<1x128xi32, #tpu.memory_space<vmem>> -> memref<128xi32, #tpu.memory_space<vmem>>
    %dma_start3A_48 = arith.constant 0 : i32
    %dma_start3A_49 = arith.constant 0 : i32
    %dma_start3A_50 = tpu.memref_slice %arg3[%dma_start3A_48, %dma_start3A_49] : memref<1000000x128xf32, #tpu.memory_space<hbm>> -> memref<1000000x128xf32, #tpu.memory_space<hbm>>
    %dma_start3A_51 = tpu.memref_slice %arg7[%dma_start3A_40] : memref<5x!tpu.dma_semaphore, #tpu.memory_space<semaphore_mem>> -> memref<1x!tpu.dma_semaphore, #tpu.memory_space<semaphore_mem>>
    %dma_start3A_52 = tpu.memref_squeeze %dma_start3A_51 : memref<1x!tpu.dma_semaphore, #tpu.memory_space<semaphore_mem>> -> memref<!tpu.dma_semaphore, #tpu.memory_space<semaphore_mem>>
    tpu.enqueue_indirect_dma source(%dma_start3A_50 : memref<1000000x128xf32, #tpu.memory_space<hbm>>) target(%dma_start3A_44 : memref<128x128xf32, #tpu.memory_space<vmem>>) offsets(%dma_start3A_47 : memref<128xi32, #tpu.memory_space<vmem>>) semaphore(%dma_start3A_52 : memref<!tpu.dma_semaphore, #tpu.memory_space<semaphore_mem>>)
    %add3A_53 = arith.constant 3 : i32
    %add3A_54 = arith.addi %mul3A_2, %add3A_53 : i32
    "tpu.region"() ({
      %run_scoped3A = tpu.sem_alloc : memref<!tpu.dma_semaphore, #tpu.memory_space<semaphore_mem>>
      %dma_start3A_371 = arith.constant 3 : i32
      %dma_start3A_372 = arith.constant 0 : i32
      %dma_start3A_373 = tpu.memref_slice %arg5[%dma_start3A_371, %dma_start3A_372] : memref<5x128xi32, #tpu.memory_space<vmem>> -> memref<1x128xi32, #tpu.memory_space<vmem>>
      %dma_start3A_374 = arith.constant 0 : i32
      %dma_start3A_375 = tpu.memref_slice %arg2[%add3A_54, %dma_start3A_374] : memref<6400x128xi32, #tpu.memory_space<hbm>> -> memref<1x128xi32, #tpu.memory_space<hbm>>
      %dma_start3A_376 = arith.constant 3 : i32
      %dma_start3A_377 = arith.constant 0 : i32
      %dma_start3A_378 = tpu.memref_slice %arg5[%dma_start3A_376, %dma_start3A_377] : memref<5x128xi32, #tpu.memory_space<vmem>> -> memref<1x128xi32, #tpu.memory_space<vmem>>
      %dma_start3A_379 = arith.constant 0 : i32
      %dma_start3A_380 = tpu.memref_slice %arg2[%add3A_54, %dma_start3A_379] : memref<6400x128xi32, #tpu.memory_space<hbm>> -> memref<1x128xi32, #tpu.memory_space<hbm>>
      tpu.enqueue_dma source(%dma_start3A_380 : memref<1x128xi32, #tpu.memory_space<hbm>>) target(%dma_start3A_378 : memref<1x128xi32, #tpu.memory_space<vmem>>) target_semaphore(%run_scoped3A : memref<!tpu.dma_semaphore, #tpu.memory_space<semaphore_mem>>)
      %dma_wait3A_381 = arith.constant 3 : i32
      %dma_wait3A_382 = arith.constant 0 : i32
      %dma_wait3A_383 = tpu.memref_slice %arg5[%dma_wait3A_381, %dma_wait3A_382] : memref<5x128xi32, #tpu.memory_space<vmem>> -> memref<1x128xi32, #tpu.memory_space<vmem>>
      %dma_wait3A_384 = arith.constant 0 : i32
      %dma_wait3A_385 = tpu.memref_slice %arg2[%add3A_54, %dma_wait3A_384] : memref<6400x128xi32, #tpu.memory_space<hbm>> -> memref<1x128xi32, #tpu.memory_space<hbm>>
      %dma_wait3A_386 = arith.constant 3 : i32
      %dma_wait3A_387 = arith.constant 0 : i32
      %dma_wait3A_388 = tpu.memref_slice %arg5[%dma_wait3A_386, %dma_wait3A_387] : memref<5x128xi32, #tpu.memory_space<vmem>> -> memref<1x128xi32, #tpu.memory_space<vmem>>
      %dma_wait3A_389 = arith.constant 0 : i32
      %dma_wait3A_390 = tpu.memref_slice %arg2[%add3A_54, %dma_wait3A_389] : memref<6400x128xi32, #tpu.memory_space<hbm>> -> memref<1x128xi32, #tpu.memory_space<hbm>>
      tpu.wait_dma2 semaphore(%run_scoped3A : memref<!tpu.dma_semaphore, #tpu.memory_space<semaphore_mem>>) src(%dma_wait3A_390 : memref<1x128xi32, #tpu.memory_space<hbm>>) dst(%dma_wait3A_388 : memref<1x128xi32, #tpu.memory_space<vmem>>)
      tpu.yield
    }) : () -> ()
    %dma_start3A_55 = arith.constant 3 : i32
    %dma_start3A_56 = arith.constant 3 : i32
    %dma_start3A_57 = arith.constant 3 : i32
    %dma_start3A_58 = arith.constant 0 : i32
    %dma_start3A_59 = arith.constant 0 : i32
    %dma_start3A_60 = tpu.memref_slice %arg6[%dma_start3A_56, %dma_start3A_58, %dma_start3A_59] : memref<5x128x128xf32, #tpu.memory_space<vmem>> -> memref<1x128x128xf32, #tpu.memory_space<vmem>>
    %dma_start3A_61 = tpu.memref_squeeze %dma_start3A_60 : memref<1x128x128xf32, #tpu.memory_space<vmem>> -> memref<128x128xf32, #tpu.memory_space<vmem>>
    %dma_start3A_62 = arith.constant 0 : i32
    %dma_start3A_63 = tpu.memref_slice %arg5[%dma_start3A_55, %dma_start3A_62] : memref<5x128xi32, #tpu.memory_space<vmem>> -> memref<1x128xi32, #tpu.memory_space<vmem>>
    %dma_start3A_64 = tpu.memref_squeeze %dma_start3A_63 : memref<1x128xi32, #tpu.memory_space<vmem>> -> memref<128xi32, #tpu.memory_space<vmem>>
    %dma_start3A_65 = arith.constant 0 : i32
    %dma_start3A_66 = arith.constant 0 : i32
    %dma_start3A_67 = tpu.memref_slice %arg3[%dma_start3A_65, %dma_start3A_66] : memref<1000000x128xf32, #tpu.memory_space<hbm>> -> memref<1000000x128xf32, #tpu.memory_space<hbm>>
    %dma_start3A_68 = tpu.memref_slice %arg7[%dma_start3A_57] : memref<5x!tpu.dma_semaphore, #tpu.memory_space<semaphore_mem>> -> memref<1x!tpu.dma_semaphore, #tpu.memory_space<semaphore_mem>>
    %dma_start3A_69 = tpu.memref_squeeze %dma_start3A_68 : memref<1x!tpu.dma_semaphore, #tpu.memory_space<semaphore_mem>> -> memref<!tpu.dma_semaphore, #tpu.memory_space<semaphore_mem>>
    tpu.enqueue_indirect_dma source(%dma_start3A_67 : memref<1000000x128xf32, #tpu.memory_space<hbm>>) target(%dma_start3A_61 : memref<128x128xf32, #tpu.memory_space<vmem>>) offsets(%dma_start3A_64 : memref<128xi32, #tpu.memory_space<vmem>>) semaphore(%dma_start3A_69 : memref<!tpu.dma_semaphore, #tpu.memory_space<semaphore_mem>>)
    %add3A_70 = arith.constant 4 : i32
    %add3A_71 = arith.addi %mul3A_2, %add3A_70 : i32
    "tpu.region"() ({
      %run_scoped3A = tpu.sem_alloc : memref<!tpu.dma_semaphore, #tpu.memory_space<semaphore_mem>>
      %dma_start3A_371 = arith.constant 4 : i32
      %dma_start3A_372 = arith.constant 0 : i32
      %dma_start3A_373 = tpu.memref_slice %arg5[%dma_start3A_371, %dma_start3A_372] : memref<5x128xi32, #tpu.memory_space<vmem>> -> memref<1x128xi32, #tpu.memory_space<vmem>>
      %dma_start3A_374 = arith.constant 0 : i32
      %dma_start3A_375 = tpu.memref_slice %arg2[%add3A_71, %dma_start3A_374] : memref<6400x128xi32, #tpu.memory_space<hbm>> -> memref<1x128xi32, #tpu.memory_space<hbm>>
      %dma_start3A_376 = arith.constant 4 : i32
      %dma_start3A_377 = arith.constant 0 : i32
      %dma_start3A_378 = tpu.memref_slice %arg5[%dma_start3A_376, %dma_start3A_377] : memref<5x128xi32, #tpu.memory_space<vmem>> -> memref<1x128xi32, #tpu.memory_space<vmem>>
      %dma_start3A_379 = arith.constant 0 : i32
      %dma_start3A_380 = tpu.memref_slice %arg2[%add3A_71, %dma_start3A_379] : memref<6400x128xi32, #tpu.memory_space<hbm>> -> memref<1x128xi32, #tpu.memory_space<hbm>>
      tpu.enqueue_dma source(%dma_start3A_380 : memref<1x128xi32, #tpu.memory_space<hbm>>) target(%dma_start3A_378 : memref<1x128xi32, #tpu.memory_space<vmem>>) target_semaphore(%run_scoped3A : memref<!tpu.dma_semaphore, #tpu.memory_space<semaphore_mem>>)
      %dma_wait3A_381 = arith.constant 4 : i32
      %dma_wait3A_382 = arith.constant 0 : i32
      %dma_wait3A_383 = tpu.memref_slice %arg5[%dma_wait3A_381, %dma_wait3A_382] : memref<5x128xi32, #tpu.memory_space<vmem>> -> memref<1x128xi32, #tpu.memory_space<vmem>>
      %dma_wait3A_384 = arith.constant 0 : i32
      %dma_wait3A_385 = tpu.memref_slice %arg2[%add3A_71, %dma_wait3A_384] : memref<6400x128xi32, #tpu.memory_space<hbm>> -> memref<1x128xi32, #tpu.memory_space<hbm>>
      %dma_wait3A_386 = arith.constant 4 : i32
      %dma_wait3A_387 = arith.constant 0 : i32
      %dma_wait3A_388 = tpu.memref_slice %arg5[%dma_wait3A_386, %dma_wait3A_387] : memref<5x128xi32, #tpu.memory_space<vmem>> -> memref<1x128xi32, #tpu.memory_space<vmem>>
      %dma_wait3A_389 = arith.constant 0 : i32
      %dma_wait3A_390 = tpu.memref_slice %arg2[%add3A_71, %dma_wait3A_389] : memref<6400x128xi32, #tpu.memory_space<hbm>> -> memref<1x128xi32, #tpu.memory_space<hbm>>
      tpu.wait_dma2 semaphore(%run_scoped3A : memref<!tpu.dma_semaphore, #tpu.memory_space<semaphore_mem>>) src(%dma_wait3A_390 : memref<1x128xi32, #tpu.memory_space<hbm>>) dst(%dma_wait3A_388 : memref<1x128xi32, #tpu.memory_space<vmem>>)
      tpu.yield
    }) : () -> ()
    %dma_start3A_72 = arith.constant 4 : i32
    %dma_start3A_73 = arith.constant 4 : i32
    %dma_start3A_74 = arith.constant 4 : i32
    %dma_start3A_75 = arith.constant 0 : i32
    %dma_start3A_76 = arith.constant 0 : i32
    %dma_start3A_77 = tpu.memref_slice %arg6[%dma_start3A_73, %dma_start3A_75, %dma_start3A_76] : memref<5x128x128xf32, #tpu.memory_space<vmem>> -> memref<1x128x128xf32, #tpu.memory_space<vmem>>
    %dma_start3A_78 = tpu.memref_squeeze %dma_start3A_77 : memref<1x128x128xf32, #tpu.memory_space<vmem>> -> memref<128x128xf32, #tpu.memory_space<vmem>>
    %dma_start3A_79 = arith.constant 0 : i32
    %dma_start3A_80 = tpu.memref_slice %arg5[%dma_start3A_72, %dma_start3A_79] : memref<5x128xi32, #tpu.memory_space<vmem>> -> memref<1x128xi32, #tpu.memory_space<vmem>>
    %dma_start3A_81 = tpu.memref_squeeze %dma_start3A_80 : memref<1x128xi32, #tpu.memory_space<vmem>> -> memref<128xi32, #tpu.memory_space<vmem>>
    %dma_start3A_82 = arith.constant 0 : i32
    %dma_start3A_83 = arith.constant 0 : i32
    %dma_start3A_84 = tpu.memref_slice %arg3[%dma_start3A_82, %dma_start3A_83] : memref<1000000x128xf32, #tpu.memory_space<hbm>> -> memref<1000000x128xf32, #tpu.memory_space<hbm>>
    %dma_start3A_85 = tpu.memref_slice %arg7[%dma_start3A_74] : memref<5x!tpu.dma_semaphore, #tpu.memory_space<semaphore_mem>> -> memref<1x!tpu.dma_semaphore, #tpu.memory_space<semaphore_mem>>
    %dma_start3A_86 = tpu.memref_squeeze %dma_start3A_85 : memref<1x!tpu.dma_semaphore, #tpu.memory_space<semaphore_mem>> -> memref<!tpu.dma_semaphore, #tpu.memory_space<semaphore_mem>>
    tpu.enqueue_indirect_dma source(%dma_start3A_84 : memref<1000000x128xf32, #tpu.memory_space<hbm>>) target(%dma_start3A_78 : memref<128x128xf32, #tpu.memory_space<vmem>>) offsets(%dma_start3A_81 : memref<128xi32, #tpu.memory_space<vmem>>) semaphore(%dma_start3A_86 : memref<!tpu.dma_semaphore, #tpu.memory_space<semaphore_mem>>)
    %scan3A = arith.constant 0 : i32
    %scan3A_87 = arith.constant 0 : i32
    %scan3A_88 = arith.constant 39 : i32
    %scan3A_89 = arith.addi %scan3A_87, %scan3A_88 : i32
    %scan3A_90 = arith.constant 1 : i32
    scf.for %scan3A_371 = %scan3A_87 to %scan3A_89 step %scan3A_90  : i32 {
      %mul3A_372 = arith.constant 5 : i32
      %mul3A_373 = arith.muli %mul3A_372, %scan3A_371 : i32
      %add3A_374 = arith.constant 0 : i32
      %add3A_375 = arith.addi %mul3A_373, %add3A_374 : i32
      %dma_wait3A_376 = arith.constant 0 : i32
      %dma_wait3A_377 = arith.constant 0 : i32
      %dma_wait3A_378 = arith.constant 0 : i32
      %dma_wait3A_379 = arith.constant 0 : i32
      %dma_wait3A_380 = tpu.memref_slice %arg6[%dma_wait3A_376, %dma_wait3A_378, %dma_wait3A_379] : memref<5x128x128xf32, #tpu.memory_space<vmem>> -> memref<1x128x128xf32, #tpu.memory_space<vmem>>
      %dma_wait3A_381 = tpu.memref_squeeze %dma_wait3A_380 : memref<1x128x128xf32, #tpu.memory_space<vmem>> -> memref<128x128xf32, #tpu.memory_space<vmem>>
      %dma_wait3A_382 = arith.constant 0 : i32
      %dma_wait3A_383 = arith.constant 0 : i32
      %dma_wait3A_384 = tpu.memref_slice %arg3[%dma_wait3A_382, %dma_wait3A_383] : memref<1000000x128xf32, #tpu.memory_space<hbm>> -> memref<128x128xf32, #tpu.memory_space<hbm>>
      %dma_wait3A_385 = tpu.memref_slice %arg7[%dma_wait3A_377] : memref<5x!tpu.dma_semaphore, #tpu.memory_space<semaphore_mem>> -> memref<1x!tpu.dma_semaphore, #tpu.memory_space<semaphore_mem>>
      %dma_wait3A_386 = tpu.memref_squeeze %dma_wait3A_385 : memref<1x!tpu.dma_semaphore, #tpu.memory_space<semaphore_mem>> -> memref<!tpu.dma_semaphore, #tpu.memory_space<semaphore_mem>>
      %dma_wait3A_387 = arith.constant 0 : i32
      %dma_wait3A_388 = arith.constant 0 : i32
      %dma_wait3A_389 = tpu.memref_slice %arg6[%dma_wait3A_376, %dma_wait3A_387, %dma_wait3A_388] : memref<5x128x128xf32, #tpu.memory_space<vmem>> -> memref<1x128x128xf32, #tpu.memory_space<vmem>>
      %dma_wait3A_390 = tpu.memref_squeeze %dma_wait3A_389 : memref<1x128x128xf32, #tpu.memory_space<vmem>> -> memref<128x128xf32, #tpu.memory_space<vmem>>
      %dma_wait3A_391 = arith.constant 0 : i32
      %dma_wait3A_392 = arith.constant 0 : i32
      %dma_wait3A_393 = tpu.memref_slice %arg3[%dma_wait3A_391, %dma_wait3A_392] : memref<1000000x128xf32, #tpu.memory_space<hbm>> -> memref<128x128xf32, #tpu.memory_space<hbm>>
      tpu.wait_dma2 semaphore(%dma_wait3A_386 : memref<!tpu.dma_semaphore, #tpu.memory_space<semaphore_mem>>) src(%dma_wait3A_393 : memref<128x128xf32, #tpu.memory_space<hbm>>) dst(%dma_wait3A_390 : memref<128x128xf32, #tpu.memory_space<vmem>>)
      %add3A_394 = arith.addi %mul3A_2, %add3A_375 : i32
      %dma_start3A_395 = arith.constant 0 : i32
      %dma_start3A_396 = arith.constant 0 : i32
      %dma_start3A_397 = arith.constant 0 : i32
      %dma_start3A_398 = arith.constant 0 : i32
      %dma_start3A_399 = tpu.memref_slice %arg6[%dma_start3A_396, %dma_start3A_397, %dma_start3A_398] : memref<5x128x128xf32, #tpu.memory_space<vmem>> -> memref<1x128x128xf32, #tpu.memory_space<vmem>>
      %dma_start3A_400 = arith.constant 0 : i32
      %dma_start3A_401 = arith.constant 0 : i32
      %dma_start3A_402 = tpu.memref_slice %arg4[%add3A_394, %dma_start3A_400, %dma_start3A_401] : memref<6400x128x128xf32, #tpu.memory_space<hbm>> -> memref<1x128x128xf32, #tpu.memory_space<hbm>>
      %dma_start3A_403 = tpu.memref_slice %arg8[%dma_start3A_395] : memref<5x!tpu.dma_semaphore, #tpu.memory_space<semaphore_mem>> -> memref<1x!tpu.dma_semaphore, #tpu.memory_space<semaphore_mem>>
      %dma_start3A_404 = tpu.memref_squeeze %dma_start3A_403 : memref<1x!tpu.dma_semaphore, #tpu.memory_space<semaphore_mem>> -> memref<!tpu.dma_semaphore, #tpu.memory_space<semaphore_mem>>
      %dma_start3A_405 = arith.constant 0 : i32
      %dma_start3A_406 = arith.constant 0 : i32
      %dma_start3A_407 = tpu.memref_slice %arg4[%add3A_394, %dma_start3A_405, %dma_start3A_406] : memref<6400x128x128xf32, #tpu.memory_space<hbm>> -> memref<1x128x128xf32, #tpu.memory_space<hbm>>
      %dma_start3A_408 = arith.constant 0 : i32
      %dma_start3A_409 = arith.constant 0 : i32
      %dma_start3A_410 = arith.constant 0 : i32
      %dma_start3A_411 = tpu.memref_slice %arg6[%dma_start3A_408, %dma_start3A_409, %dma_start3A_410] : memref<5x128x128xf32, #tpu.memory_space<vmem>> -> memref<1x128x128xf32, #tpu.memory_space<vmem>>
      tpu.enqueue_dma source(%dma_start3A_411 : memref<1x128x128xf32, #tpu.memory_space<vmem>>) target(%dma_start3A_407 : memref<1x128x128xf32, #tpu.memory_space<hbm>>) target_semaphore(%dma_start3A_404 : memref<!tpu.dma_semaphore, #tpu.memory_space<semaphore_mem>>)
      %add3A_412 = arith.constant 5 : i32
      %add3A_413 = arith.addi %mul3A_373, %add3A_412 : i32
      %add3A_414 = arith.constant 0 : i32
      %add3A_415 = arith.addi %add3A_413, %add3A_414 : i32
      %add3A_416 = arith.addi %mul3A_2, %add3A_415 : i32
      "tpu.region"() ({
        %run_scoped3A = tpu.sem_alloc : memref<!tpu.dma_semaphore, #tpu.memory_space<semaphore_mem>>
        %dma_start3A_759 = arith.constant 0 : i32
        %dma_start3A_760 = arith.constant 0 : i32
        %dma_start3A_761 = tpu.memref_slice %arg5[%dma_start3A_759, %dma_start3A_760] : memref<5x128xi32, #tpu.memory_space<vmem>> -> memref<1x128xi32, #tpu.memory_space<vmem>>
        %dma_start3A_762 = arith.constant 0 : i32
        %dma_start3A_763 = tpu.memref_slice %arg2[%add3A_416, %dma_start3A_762] : memref<6400x128xi32, #tpu.memory_space<hbm>> -> memref<1x128xi32, #tpu.memory_space<hbm>>
        %dma_start3A_764 = arith.constant 0 : i32
        %dma_start3A_765 = arith.constant 0 : i32
        %dma_start3A_766 = tpu.memref_slice %arg5[%dma_start3A_764, %dma_start3A_765] : memref<5x128xi32, #tpu.memory_space<vmem>> -> memref<1x128xi32, #tpu.memory_space<vmem>>
        %dma_start3A_767 = arith.constant 0 : i32
        %dma_start3A_768 = tpu.memref_slice %arg2[%add3A_416, %dma_start3A_767] : memref<6400x128xi32, #tpu.memory_space<hbm>> -> memref<1x128xi32, #tpu.memory_space<hbm>>
        tpu.enqueue_dma source(%dma_start3A_768 : memref<1x128xi32, #tpu.memory_space<hbm>>) target(%dma_start3A_766 : memref<1x128xi32, #tpu.memory_space<vmem>>) target_semaphore(%run_scoped3A : memref<!tpu.dma_semaphore, #tpu.memory_space<semaphore_mem>>)
        %dma_wait3A_769 = arith.constant 0 : i32
        %dma_wait3A_770 = arith.constant 0 : i32
        %dma_wait3A_771 = tpu.memref_slice %arg5[%dma_wait3A_769, %dma_wait3A_770] : memref<5x128xi32, #tpu.memory_space<vmem>> -> memref<1x128xi32, #tpu.memory_space<vmem>>
        %dma_wait3A_772 = arith.constant 0 : i32
        %dma_wait3A_773 = tpu.memref_slice %arg2[%add3A_416, %dma_wait3A_772] : memref<6400x128xi32, #tpu.memory_space<hbm>> -> memref<1x128xi32, #tpu.memory_space<hbm>>
        %dma_wait3A_774 = arith.constant 0 : i32
        %dma_wait3A_775 = arith.constant 0 : i32
        %dma_wait3A_776 = tpu.memref_slice %arg5[%dma_wait3A_774, %dma_wait3A_775] : memref<5x128xi32, #tpu.memory_space<vmem>> -> memref<1x128xi32, #tpu.memory_space<vmem>>
        %dma_wait3A_777 = arith.constant 0 : i32
        %dma_wait3A_778 = tpu.memref_slice %arg2[%add3A_416, %dma_wait3A_777] : memref<6400x128xi32, #tpu.memory_space<hbm>> -> memref<1x128xi32, #tpu.memory_space<hbm>>
        tpu.wait_dma2 semaphore(%run_scoped3A : memref<!tpu.dma_semaphore, #tpu.memory_space<semaphore_mem>>) src(%dma_wait3A_778 : memref<1x128xi32, #tpu.memory_space<hbm>>) dst(%dma_wait3A_776 : memref<1x128xi32, #tpu.memory_space<vmem>>)
        tpu.yield
      }) : () -> ()
      %dma_wait3A_417 = arith.constant 0 : i32
      %dma_wait3A_418 = arith.constant 0 : i32
      %dma_wait3A_419 = arith.constant 0 : i32
      %dma_wait3A_420 = arith.constant 0 : i32
      %dma_wait3A_421 = tpu.memref_slice %arg6[%dma_wait3A_418, %dma_wait3A_419, %dma_wait3A_420] : memref<5x128x128xf32, #tpu.memory_space<vmem>> -> memref<1x128x128xf32, #tpu.memory_space<vmem>>
      %dma_wait3A_422 = arith.constant 0 : i32
      %dma_wait3A_423 = arith.constant 0 : i32
      %dma_wait3A_424 = arith.constant 0 : i32
      %dma_wait3A_425 = tpu.memref_slice %arg4[%dma_wait3A_422, %dma_wait3A_423, %dma_wait3A_424] : memref<6400x128x128xf32, #tpu.memory_space<hbm>> -> memref<1x128x128xf32, #tpu.memory_space<hbm>>
      %dma_wait3A_426 = tpu.memref_slice %arg8[%dma_wait3A_417] : memref<5x!tpu.dma_semaphore, #tpu.memory_space<semaphore_mem>> -> memref<1x!tpu.dma_semaphore, #tpu.memory_space<semaphore_mem>>
      %dma_wait3A_427 = tpu.memref_squeeze %dma_wait3A_426 : memref<1x!tpu.dma_semaphore, #tpu.memory_space<semaphore_mem>> -> memref<!tpu.dma_semaphore, #tpu.memory_space<semaphore_mem>>
      %dma_wait3A_428 = arith.constant 0 : i32
      %dma_wait3A_429 = arith.constant 0 : i32
      %dma_wait3A_430 = arith.constant 0 : i32
      %dma_wait3A_431 = tpu.memref_slice %arg4[%dma_wait3A_428, %dma_wait3A_429, %dma_wait3A_430] : memref<6400x128x128xf32, #tpu.memory_space<hbm>> -> memref<1x128x128xf32, #tpu.memory_space<hbm>>
      %dma_wait3A_432 = arith.constant 0 : i32
      %dma_wait3A_433 = arith.constant 0 : i32
      %dma_wait3A_434 = arith.constant 0 : i32
      %dma_wait3A_435 = tpu.memref_slice %arg6[%dma_wait3A_432, %dma_wait3A_433, %dma_wait3A_434] : memref<5x128x128xf32, #tpu.memory_space<vmem>> -> memref<1x128x128xf32, #tpu.memory_space<vmem>>
      tpu.wait_dma2 semaphore(%dma_wait3A_427 : memref<!tpu.dma_semaphore, #tpu.memory_space<semaphore_mem>>) src(%dma_wait3A_435 : memref<1x128x128xf32, #tpu.memory_space<vmem>>) dst(%dma_wait3A_431 : memref<1x128x128xf32, #tpu.memory_space<hbm>>)
      %dma_start3A_436 = arith.constant 0 : i32
      %dma_start3A_437 = arith.constant 0 : i32
      %dma_start3A_438 = arith.constant 0 : i32
      %dma_start3A_439 = arith.constant 0 : i32
      %dma_start3A_440 = arith.constant 0 : i32
      %dma_start3A_441 = tpu.memref_slice %arg6[%dma_start3A_437, %dma_start3A_439, %dma_start3A_440] : memref<5x128x128xf32, #tpu.memory_space<vmem>> -> memref<1x128x128xf32, #tpu.memory_space<vmem>>
      %dma_start3A_442 = tpu.memref_squeeze %dma_start3A_441 : memref<1x128x128xf32, #tpu.memory_space<vmem>> -> memref<128x128xf32, #tpu.memory_space<vmem>>
      %dma_start3A_443 = arith.constant 0 : i32
      %dma_start3A_444 = tpu.memref_slice %arg5[%dma_start3A_436, %dma_start3A_443] : memref<5x128xi32, #tpu.memory_space<vmem>> -> memref<1x128xi32, #tpu.memory_space<vmem>>
      %dma_start3A_445 = tpu.memref_squeeze %dma_start3A_444 : memref<1x128xi32, #tpu.memory_space<vmem>> -> memref<128xi32, #tpu.memory_space<vmem>>
      %dma_start3A_446 = arith.constant 0 : i32
      %dma_start3A_447 = arith.constant 0 : i32
      %dma_start3A_448 = tpu.memref_slice %arg3[%dma_start3A_446, %dma_start3A_447] : memref<1000000x128xf32, #tpu.memory_space<hbm>> -> memref<1000000x128xf32, #tpu.memory_space<hbm>>
      %dma_start3A_449 = tpu.memref_slice %arg7[%dma_start3A_438] : memref<5x!tpu.dma_semaphore, #tpu.memory_space<semaphore_mem>> -> memref<1x!tpu.dma_semaphore, #tpu.memory_space<semaphore_mem>>
      %dma_start3A_450 = tpu.memref_squeeze %dma_start3A_449 : memref<1x!tpu.dma_semaphore, #tpu.memory_space<semaphore_mem>> -> memref<!tpu.dma_semaphore, #tpu.memory_space<semaphore_mem>>
      tpu.enqueue_indirect_dma source(%dma_start3A_448 : memref<1000000x128xf32, #tpu.memory_space<hbm>>) target(%dma_start3A_442 : memref<128x128xf32, #tpu.memory_space<vmem>>) offsets(%dma_start3A_445 : memref<128xi32, #tpu.memory_space<vmem>>) semaphore(%dma_start3A_450 : memref<!tpu.dma_semaphore, #tpu.memory_space<semaphore_mem>>)
      %add3A_451 = arith.constant 1 : i32
      %add3A_452 = arith.addi %mul3A_373, %add3A_451 : i32
      %dma_wait3A_453 = arith.constant 1 : i32
      %dma_wait3A_454 = arith.constant 1 : i32
      %dma_wait3A_455 = arith.constant 0 : i32
      %dma_wait3A_456 = arith.constant 0 : i32
      %dma_wait3A_457 = tpu.memref_slice %arg6[%dma_wait3A_453, %dma_wait3A_455, %dma_wait3A_456] : memref<5x128x128xf32, #tpu.memory_space<vmem>> -> memref<1x128x128xf32, #tpu.memory_space<vmem>>
      %dma_wait3A_458 = tpu.memref_squeeze %dma_wait3A_457 : memref<1x128x128xf32, #tpu.memory_space<vmem>> -> memref<128x128xf32, #tpu.memory_space<vmem>>
      %dma_wait3A_459 = arith.constant 0 : i32
      %dma_wait3A_460 = arith.constant 0 : i32
      %dma_wait3A_461 = tpu.memref_slice %arg3[%dma_wait3A_459, %dma_wait3A_460] : memref<1000000x128xf32, #tpu.memory_space<hbm>> -> memref<128x128xf32, #tpu.memory_space<hbm>>
      %dma_wait3A_462 = tpu.memref_slice %arg7[%dma_wait3A_454] : memref<5x!tpu.dma_semaphore, #tpu.memory_space<semaphore_mem>> -> memref<1x!tpu.dma_semaphore, #tpu.memory_space<semaphore_mem>>
      %dma_wait3A_463 = tpu.memref_squeeze %dma_wait3A_462 : memref<1x!tpu.dma_semaphore, #tpu.memory_space<semaphore_mem>> -> memref<!tpu.dma_semaphore, #tpu.memory_space<semaphore_mem>>
      %dma_wait3A_464 = arith.constant 0 : i32
      %dma_wait3A_465 = arith.constant 0 : i32
      %dma_wait3A_466 = tpu.memref_slice %arg6[%dma_wait3A_453, %dma_wait3A_464, %dma_wait3A_465] : memref<5x128x128xf32, #tpu.memory_space<vmem>> -> memref<1x128x128xf32, #tpu.memory_space<vmem>>
      %dma_wait3A_467 = tpu.memref_squeeze %dma_wait3A_466 : memref<1x128x128xf32, #tpu.memory_space<vmem>> -> memref<128x128xf32, #tpu.memory_space<vmem>>
      %dma_wait3A_468 = arith.constant 0 : i32
      %dma_wait3A_469 = arith.constant 0 : i32
      %dma_wait3A_470 = tpu.memref_slice %arg3[%dma_wait3A_468, %dma_wait3A_469] : memref<1000000x128xf32, #tpu.memory_space<hbm>> -> memref<128x128xf32, #tpu.memory_space<hbm>>
      tpu.wait_dma2 semaphore(%dma_wait3A_463 : memref<!tpu.dma_semaphore, #tpu.memory_space<semaphore_mem>>) src(%dma_wait3A_470 : memref<128x128xf32, #tpu.memory_space<hbm>>) dst(%dma_wait3A_467 : memref<128x128xf32, #tpu.memory_space<vmem>>)
      %add3A_471 = arith.addi %mul3A_2, %add3A_452 : i32
      %dma_start3A_472 = arith.constant 1 : i32
      %dma_start3A_473 = arith.constant 1 : i32
      %dma_start3A_474 = arith.constant 0 : i32
      %dma_start3A_475 = arith.constant 0 : i32
      %dma_start3A_476 = tpu.memref_slice %arg6[%dma_start3A_473, %dma_start3A_474, %dma_start3A_475] : memref<5x128x128xf32, #tpu.memory_space<vmem>> -> memref<1x128x128xf32, #tpu.memory_space<vmem>>
      %dma_start3A_477 = arith.constant 0 : i32
      %dma_start3A_478 = arith.constant 0 : i32
      %dma_start3A_479 = tpu.memref_slice %arg4[%add3A_471, %dma_start3A_477, %dma_start3A_478] : memref<6400x128x128xf32, #tpu.memory_space<hbm>> -> memref<1x128x128xf32, #tpu.memory_space<hbm>>
      %dma_start3A_480 = tpu.memref_slice %arg8[%dma_start3A_472] : memref<5x!tpu.dma_semaphore, #tpu.memory_space<semaphore_mem>> -> memref<1x!tpu.dma_semaphore, #tpu.memory_space<semaphore_mem>>
      %dma_start3A_481 = tpu.memref_squeeze %dma_start3A_480 : memref<1x!tpu.dma_semaphore, #tpu.memory_space<semaphore_mem>> -> memref<!tpu.dma_semaphore, #tpu.memory_space<semaphore_mem>>
      %dma_start3A_482 = arith.constant 0 : i32
      %dma_start3A_483 = arith.constant 0 : i32
      %dma_start3A_484 = tpu.memref_slice %arg4[%add3A_471, %dma_start3A_482, %dma_start3A_483] : memref<6400x128x128xf32, #tpu.memory_space<hbm>> -> memref<1x128x128xf32, #tpu.memory_space<hbm>>
      %dma_start3A_485 = arith.constant 1 : i32
      %dma_start3A_486 = arith.constant 0 : i32
      %dma_start3A_487 = arith.constant 0 : i32
      %dma_start3A_488 = tpu.memref_slice %arg6[%dma_start3A_485, %dma_start3A_486, %dma_start3A_487] : memref<5x128x128xf32, #tpu.memory_space<vmem>> -> memref<1x128x128xf32, #tpu.memory_space<vmem>>
      tpu.enqueue_dma source(%dma_start3A_488 : memref<1x128x128xf32, #tpu.memory_space<vmem>>) target(%dma_start3A_484 : memref<1x128x128xf32, #tpu.memory_space<hbm>>) target_semaphore(%dma_start3A_481 : memref<!tpu.dma_semaphore, #tpu.memory_space<semaphore_mem>>)
      %add3A_489 = arith.constant 5 : i32
      %add3A_490 = arith.addi %mul3A_373, %add3A_489 : i32
      %add3A_491 = arith.constant 1 : i32
      %add3A_492 = arith.addi %add3A_490, %add3A_491 : i32
      %add3A_493 = arith.addi %mul3A_2, %add3A_492 : i32
      "tpu.region"() ({
        %run_scoped3A = tpu.sem_alloc : memref<!tpu.dma_semaphore, #tpu.memory_space<semaphore_mem>>
        %dma_start3A_759 = arith.constant 1 : i32
        %dma_start3A_760 = arith.constant 0 : i32
        %dma_start3A_761 = tpu.memref_slice %arg5[%dma_start3A_759, %dma_start3A_760] : memref<5x128xi32, #tpu.memory_space<vmem>> -> memref<1x128xi32, #tpu.memory_space<vmem>>
        %dma_start3A_762 = arith.constant 0 : i32
        %dma_start3A_763 = tpu.memref_slice %arg2[%add3A_493, %dma_start3A_762] : memref<6400x128xi32, #tpu.memory_space<hbm>> -> memref<1x128xi32, #tpu.memory_space<hbm>>
        %dma_start3A_764 = arith.constant 1 : i32
        %dma_start3A_765 = arith.constant 0 : i32
        %dma_start3A_766 = tpu.memref_slice %arg5[%dma_start3A_764, %dma_start3A_765] : memref<5x128xi32, #tpu.memory_space<vmem>> -> memref<1x128xi32, #tpu.memory_space<vmem>>
        %dma_start3A_767 = arith.constant 0 : i32
        %dma_start3A_768 = tpu.memref_slice %arg2[%add3A_493, %dma_start3A_767] : memref<6400x128xi32, #tpu.memory_space<hbm>> -> memref<1x128xi32, #tpu.memory_space<hbm>>
        tpu.enqueue_dma source(%dma_start3A_768 : memref<1x128xi32, #tpu.memory_space<hbm>>) target(%dma_start3A_766 : memref<1x128xi32, #tpu.memory_space<vmem>>) target_semaphore(%run_scoped3A : memref<!tpu.dma_semaphore, #tpu.memory_space<semaphore_mem>>)
        %dma_wait3A_769 = arith.constant 1 : i32
        %dma_wait3A_770 = arith.constant 0 : i32
        %dma_wait3A_771 = tpu.memref_slice %arg5[%dma_wait3A_769, %dma_wait3A_770] : memref<5x128xi32, #tpu.memory_space<vmem>> -> memref<1x128xi32, #tpu.memory_space<vmem>>
        %dma_wait3A_772 = arith.constant 0 : i32
        %dma_wait3A_773 = tpu.memref_slice %arg2[%add3A_493, %dma_wait3A_772] : memref<6400x128xi32, #tpu.memory_space<hbm>> -> memref<1x128xi32, #tpu.memory_space<hbm>>
        %dma_wait3A_774 = arith.constant 1 : i32
        %dma_wait3A_775 = arith.constant 0 : i32
        %dma_wait3A_776 = tpu.memref_slice %arg5[%dma_wait3A_774, %dma_wait3A_775] : memref<5x128xi32, #tpu.memory_space<vmem>> -> memref<1x128xi32, #tpu.memory_space<vmem>>
        %dma_wait3A_777 = arith.constant 0 : i32
        %dma_wait3A_778 = tpu.memref_slice %arg2[%add3A_493, %dma_wait3A_777] : memref<6400x128xi32, #tpu.memory_space<hbm>> -> memref<1x128xi32, #tpu.memory_space<hbm>>
        tpu.wait_dma2 semaphore(%run_scoped3A : memref<!tpu.dma_semaphore, #tpu.memory_space<semaphore_mem>>) src(%dma_wait3A_778 : memref<1x128xi32, #tpu.memory_space<hbm>>) dst(%dma_wait3A_776 : memref<1x128xi32, #tpu.memory_space<vmem>>)
        tpu.yield
      }) : () -> ()
      %dma_wait3A_494 = arith.constant 1 : i32
      %dma_wait3A_495 = arith.constant 1 : i32
      %dma_wait3A_496 = arith.constant 0 : i32
      %dma_wait3A_497 = arith.constant 0 : i32
      %dma_wait3A_498 = tpu.memref_slice %arg6[%dma_wait3A_495, %dma_wait3A_496, %dma_wait3A_497] : memref<5x128x128xf32, #tpu.memory_space<vmem>> -> memref<1x128x128xf32, #tpu.memory_space<vmem>>
      %dma_wait3A_499 = arith.constant 0 : i32
      %dma_wait3A_500 = arith.constant 0 : i32
      %dma_wait3A_501 = arith.constant 0 : i32
      %dma_wait3A_502 = tpu.memref_slice %arg4[%dma_wait3A_499, %dma_wait3A_500, %dma_wait3A_501] : memref<6400x128x128xf32, #tpu.memory_space<hbm>> -> memref<1x128x128xf32, #tpu.memory_space<hbm>>
      %dma_wait3A_503 = tpu.memref_slice %arg8[%dma_wait3A_494] : memref<5x!tpu.dma_semaphore, #tpu.memory_space<semaphore_mem>> -> memref<1x!tpu.dma_semaphore, #tpu.memory_space<semaphore_mem>>
      %dma_wait3A_504 = tpu.memref_squeeze %dma_wait3A_503 : memref<1x!tpu.dma_semaphore, #tpu.memory_space<semaphore_mem>> -> memref<!tpu.dma_semaphore, #tpu.memory_space<semaphore_mem>>
      %dma_wait3A_505 = arith.constant 0 : i32
      %dma_wait3A_506 = arith.constant 0 : i32
      %dma_wait3A_507 = arith.constant 0 : i32
      %dma_wait3A_508 = tpu.memref_slice %arg4[%dma_wait3A_505, %dma_wait3A_506, %dma_wait3A_507] : memref<6400x128x128xf32, #tpu.memory_space<hbm>> -> memref<1x128x128xf32, #tpu.memory_space<hbm>>
      %dma_wait3A_509 = arith.constant 1 : i32
      %dma_wait3A_510 = arith.constant 0 : i32
      %dma_wait3A_511 = arith.constant 0 : i32
      %dma_wait3A_512 = tpu.memref_slice %arg6[%dma_wait3A_509, %dma_wait3A_510, %dma_wait3A_511] : memref<5x128x128xf32, #tpu.memory_space<vmem>> -> memref<1x128x128xf32, #tpu.memory_space<vmem>>
      tpu.wait_dma2 semaphore(%dma_wait3A_504 : memref<!tpu.dma_semaphore, #tpu.memory_space<semaphore_mem>>) src(%dma_wait3A_512 : memref<1x128x128xf32, #tpu.memory_space<vmem>>) dst(%dma_wait3A_508 : memref<1x128x128xf32, #tpu.memory_space<hbm>>)
      %dma_start3A_513 = arith.constant 1 : i32
      %dma_start3A_514 = arith.constant 1 : i32
      %dma_start3A_515 = arith.constant 1 : i32
      %dma_start3A_516 = arith.constant 0 : i32
      %dma_start3A_517 = arith.constant 0 : i32
      %dma_start3A_518 = tpu.memref_slice %arg6[%dma_start3A_514, %dma_start3A_516, %dma_start3A_517] : memref<5x128x128xf32, #tpu.memory_space<vmem>> -> memref<1x128x128xf32, #tpu.memory_space<vmem>>
      %dma_start3A_519 = tpu.memref_squeeze %dma_start3A_518 : memref<1x128x128xf32, #tpu.memory_space<vmem>> -> memref<128x128xf32, #tpu.memory_space<vmem>>
      %dma_start3A_520 = arith.constant 0 : i32
      %dma_start3A_521 = tpu.memref_slice %arg5[%dma_start3A_513, %dma_start3A_520] : memref<5x128xi32, #tpu.memory_space<vmem>> -> memref<1x128xi32, #tpu.memory_space<vmem>>
      %dma_start3A_522 = tpu.memref_squeeze %dma_start3A_521 : memref<1x128xi32, #tpu.memory_space<vmem>> -> memref<128xi32, #tpu.memory_space<vmem>>
      %dma_start3A_523 = arith.constant 0 : i32
      %dma_start3A_524 = arith.constant 0 : i32
      %dma_start3A_525 = tpu.memref_slice %arg3[%dma_start3A_523, %dma_start3A_524] : memref<1000000x128xf32, #tpu.memory_space<hbm>> -> memref<1000000x128xf32, #tpu.memory_space<hbm>>
      %dma_start3A_526 = tpu.memref_slice %arg7[%dma_start3A_515] : memref<5x!tpu.dma_semaphore, #tpu.memory_space<semaphore_mem>> -> memref<1x!tpu.dma_semaphore, #tpu.memory_space<semaphore_mem>>
      %dma_start3A_527 = tpu.memref_squeeze %dma_start3A_526 : memref<1x!tpu.dma_semaphore, #tpu.memory_space<semaphore_mem>> -> memref<!tpu.dma_semaphore, #tpu.memory_space<semaphore_mem>>
      tpu.enqueue_indirect_dma source(%dma_start3A_525 : memref<1000000x128xf32, #tpu.memory_space<hbm>>) target(%dma_start3A_519 : memref<128x128xf32, #tpu.memory_space<vmem>>) offsets(%dma_start3A_522 : memref<128xi32, #tpu.memory_space<vmem>>) semaphore(%dma_start3A_527 : memref<!tpu.dma_semaphore, #tpu.memory_space<semaphore_mem>>)
      %add3A_528 = arith.constant 2 : i32
      %add3A_529 = arith.addi %mul3A_373, %add3A_528 : i32
      %dma_wait3A_530 = arith.constant 2 : i32
      %dma_wait3A_531 = arith.constant 2 : i32
      %dma_wait3A_532 = arith.constant 0 : i32
      %dma_wait3A_533 = arith.constant 0 : i32
      %dma_wait3A_534 = tpu.memref_slice %arg6[%dma_wait3A_530, %dma_wait3A_532, %dma_wait3A_533] : memref<5x128x128xf32, #tpu.memory_space<vmem>> -> memref<1x128x128xf32, #tpu.memory_space<vmem>>
      %dma_wait3A_535 = tpu.memref_squeeze %dma_wait3A_534 : memref<1x128x128xf32, #tpu.memory_space<vmem>> -> memref<128x128xf32, #tpu.memory_space<vmem>>
      %dma_wait3A_536 = arith.constant 0 : i32
      %dma_wait3A_537 = arith.constant 0 : i32
      %dma_wait3A_538 = tpu.memref_slice %arg3[%dma_wait3A_536, %dma_wait3A_537] : memref<1000000x128xf32, #tpu.memory_space<hbm>> -> memref<128x128xf32, #tpu.memory_space<hbm>>
      %dma_wait3A_539 = tpu.memref_slice %arg7[%dma_wait3A_531] : memref<5x!tpu.dma_semaphore, #tpu.memory_space<semaphore_mem>> -> memref<1x!tpu.dma_semaphore, #tpu.memory_space<semaphore_mem>>
      %dma_wait3A_540 = tpu.memref_squeeze %dma_wait3A_539 : memref<1x!tpu.dma_semaphore, #tpu.memory_space<semaphore_mem>> -> memref<!tpu.dma_semaphore, #tpu.memory_space<semaphore_mem>>
      %dma_wait3A_541 = arith.constant 0 : i32
      %dma_wait3A_542 = arith.constant 0 : i32
      %dma_wait3A_543 = tpu.memref_slice %arg6[%dma_wait3A_530, %dma_wait3A_541, %dma_wait3A_542] : memref<5x128x128xf32, #tpu.memory_space<vmem>> -> memref<1x128x128xf32, #tpu.memory_space<vmem>>
      %dma_wait3A_544 = tpu.memref_squeeze %dma_wait3A_543 : memref<1x128x128xf32, #tpu.memory_space<vmem>> -> memref<128x128xf32, #tpu.memory_space<vmem>>
      %dma_wait3A_545 = arith.constant 0 : i32
      %dma_wait3A_546 = arith.constant 0 : i32
      %dma_wait3A_547 = tpu.memref_slice %arg3[%dma_wait3A_545, %dma_wait3A_546] : memref<1000000x128xf32, #tpu.memory_space<hbm>> -> memref<128x128xf32, #tpu.memory_space<hbm>>
      tpu.wait_dma2 semaphore(%dma_wait3A_540 : memref<!tpu.dma_semaphore, #tpu.memory_space<semaphore_mem>>) src(%dma_wait3A_547 : memref<128x128xf32, #tpu.memory_space<hbm>>) dst(%dma_wait3A_544 : memref<128x128xf32, #tpu.memory_space<vmem>>)
      %add3A_548 = arith.addi %mul3A_2, %add3A_529 : i32
      %dma_start3A_549 = arith.constant 2 : i32
      %dma_start3A_550 = arith.constant 2 : i32
      %dma_start3A_551 = arith.constant 0 : i32
      %dma_start3A_552 = arith.constant 0 : i32
      %dma_start3A_553 = tpu.memref_slice %arg6[%dma_start3A_550, %dma_start3A_551, %dma_start3A_552] : memref<5x128x128xf32, #tpu.memory_space<vmem>> -> memref<1x128x128xf32, #tpu.memory_space<vmem>>
      %dma_start3A_554 = arith.constant 0 : i32
      %dma_start3A_555 = arith.constant 0 : i32
      %dma_start3A_556 = tpu.memref_slice %arg4[%add3A_548, %dma_start3A_554, %dma_start3A_555] : memref<6400x128x128xf32, #tpu.memory_space<hbm>> -> memref<1x128x128xf32, #tpu.memory_space<hbm>>
      %dma_start3A_557 = tpu.memref_slice %arg8[%dma_start3A_549] : memref<5x!tpu.dma_semaphore, #tpu.memory_space<semaphore_mem>> -> memref<1x!tpu.dma_semaphore, #tpu.memory_space<semaphore_mem>>
      %dma_start3A_558 = tpu.memref_squeeze %dma_start3A_557 : memref<1x!tpu.dma_semaphore, #tpu.memory_space<semaphore_mem>> -> memref<!tpu.dma_semaphore, #tpu.memory_space<semaphore_mem>>
      %dma_start3A_559 = arith.constant 0 : i32
      %dma_start3A_560 = arith.constant 0 : i32
      %dma_start3A_561 = tpu.memref_slice %arg4[%add3A_548, %dma_start3A_559, %dma_start3A_560] : memref<6400x128x128xf32, #tpu.memory_space<hbm>> -> memref<1x128x128xf32, #tpu.memory_space<hbm>>
      %dma_start3A_562 = arith.constant 2 : i32
      %dma_start3A_563 = arith.constant 0 : i32
      %dma_start3A_564 = arith.constant 0 : i32
      %dma_start3A_565 = tpu.memref_slice %arg6[%dma_start3A_562, %dma_start3A_563, %dma_start3A_564] : memref<5x128x128xf32, #tpu.memory_space<vmem>> -> memref<1x128x128xf32, #tpu.memory_space<vmem>>
      tpu.enqueue_dma source(%dma_start3A_565 : memref<1x128x128xf32, #tpu.memory_space<vmem>>) target(%dma_start3A_561 : memref<1x128x128xf32, #tpu.memory_space<hbm>>) target_semaphore(%dma_start3A_558 : memref<!tpu.dma_semaphore, #tpu.memory_space<semaphore_mem>>)
      %add3A_566 = arith.constant 5 : i32
      %add3A_567 = arith.addi %mul3A_373, %add3A_566 : i32
      %add3A_568 = arith.constant 2 : i32
      %add3A_569 = arith.addi %add3A_567, %add3A_568 : i32
      %add3A_570 = arith.addi %mul3A_2, %add3A_569 : i32
      "tpu.region"() ({
        %run_scoped3A = tpu.sem_alloc : memref<!tpu.dma_semaphore, #tpu.memory_space<semaphore_mem>>
        %dma_start3A_759 = arith.constant 2 : i32
        %dma_start3A_760 = arith.constant 0 : i32
        %dma_start3A_761 = tpu.memref_slice %arg5[%dma_start3A_759, %dma_start3A_760] : memref<5x128xi32, #tpu.memory_space<vmem>> -> memref<1x128xi32, #tpu.memory_space<vmem>>
        %dma_start3A_762 = arith.constant 0 : i32
        %dma_start3A_763 = tpu.memref_slice %arg2[%add3A_570, %dma_start3A_762] : memref<6400x128xi32, #tpu.memory_space<hbm>> -> memref<1x128xi32, #tpu.memory_space<hbm>>
        %dma_start3A_764 = arith.constant 2 : i32
        %dma_start3A_765 = arith.constant 0 : i32
        %dma_start3A_766 = tpu.memref_slice %arg5[%dma_start3A_764, %dma_start3A_765] : memref<5x128xi32, #tpu.memory_space<vmem>> -> memref<1x128xi32, #tpu.memory_space<vmem>>
        %dma_start3A_767 = arith.constant 0 : i32
        %dma_start3A_768 = tpu.memref_slice %arg2[%add3A_570, %dma_start3A_767] : memref<6400x128xi32, #tpu.memory_space<hbm>> -> memref<1x128xi32, #tpu.memory_space<hbm>>
        tpu.enqueue_dma source(%dma_start3A_768 : memref<1x128xi32, #tpu.memory_space<hbm>>) target(%dma_start3A_766 : memref<1x128xi32, #tpu.memory_space<vmem>>) target_semaphore(%run_scoped3A : memref<!tpu.dma_semaphore, #tpu.memory_space<semaphore_mem>>)
        %dma_wait3A_769 = arith.constant 2 : i32
        %dma_wait3A_770 = arith.constant 0 : i32
        %dma_wait3A_771 = tpu.memref_slice %arg5[%dma_wait3A_769, %dma_wait3A_770] : memref<5x128xi32, #tpu.memory_space<vmem>> -> memref<1x128xi32, #tpu.memory_space<vmem>>
        %dma_wait3A_772 = arith.constant 0 : i32
        %dma_wait3A_773 = tpu.memref_slice %arg2[%add3A_570, %dma_wait3A_772] : memref<6400x128xi32, #tpu.memory_space<hbm>> -> memref<1x128xi32, #tpu.memory_space<hbm>>
        %dma_wait3A_774 = arith.constant 2 : i32
        %dma_wait3A_775 = arith.constant 0 : i32
        %dma_wait3A_776 = tpu.memref_slice %arg5[%dma_wait3A_774, %dma_wait3A_775] : memref<5x128xi32, #tpu.memory_space<vmem>> -> memref<1x128xi32, #tpu.memory_space<vmem>>
        %dma_wait3A_777 = arith.constant 0 : i32
        %dma_wait3A_778 = tpu.memref_slice %arg2[%add3A_570, %dma_wait3A_777] : memref<6400x128xi32, #tpu.memory_space<hbm>> -> memref<1x128xi32, #tpu.memory_space<hbm>>
        tpu.wait_dma2 semaphore(%run_scoped3A : memref<!tpu.dma_semaphore, #tpu.memory_space<semaphore_mem>>) src(%dma_wait3A_778 : memref<1x128xi32, #tpu.memory_space<hbm>>) dst(%dma_wait3A_776 : memref<1x128xi32, #tpu.memory_space<vmem>>)
        tpu.yield
      }) : () -> ()
      %dma_wait3A_571 = arith.constant 2 : i32
      %dma_wait3A_572 = arith.constant 2 : i32
      %dma_wait3A_573 = arith.constant 0 : i32
      %dma_wait3A_574 = arith.constant 0 : i32
      %dma_wait3A_575 = tpu.memref_slice %arg6[%dma_wait3A_572, %dma_wait3A_573, %dma_wait3A_574] : memref<5x128x128xf32, #tpu.memory_space<vmem>> -> memref<1x128x128xf32, #tpu.memory_space<vmem>>
      %dma_wait3A_576 = arith.constant 0 : i32
      %dma_wait3A_577 = arith.constant 0 : i32
      %dma_wait3A_578 = arith.constant 0 : i32
      %dma_wait3A_579 = tpu.memref_slice %arg4[%dma_wait3A_576, %dma_wait3A_577, %dma_wait3A_578] : memref<6400x128x128xf32, #tpu.memory_space<hbm>> -> memref<1x128x128xf32, #tpu.memory_space<hbm>>
      %dma_wait3A_580 = tpu.memref_slice %arg8[%dma_wait3A_571] : memref<5x!tpu.dma_semaphore, #tpu.memory_space<semaphore_mem>> -> memref<1x!tpu.dma_semaphore, #tpu.memory_space<semaphore_mem>>
      %dma_wait3A_581 = tpu.memref_squeeze %dma_wait3A_580 : memref<1x!tpu.dma_semaphore, #tpu.memory_space<semaphore_mem>> -> memref<!tpu.dma_semaphore, #tpu.memory_space<semaphore_mem>>
      %dma_wait3A_582 = arith.constant 0 : i32
      %dma_wait3A_583 = arith.constant 0 : i32
      %dma_wait3A_584 = arith.constant 0 : i32
      %dma_wait3A_585 = tpu.memref_slice %arg4[%dma_wait3A_582, %dma_wait3A_583, %dma_wait3A_584] : memref<6400x128x128xf32, #tpu.memory_space<hbm>> -> memref<1x128x128xf32, #tpu.memory_space<hbm>>
      %dma_wait3A_586 = arith.constant 2 : i32
      %dma_wait3A_587 = arith.constant 0 : i32
      %dma_wait3A_588 = arith.constant 0 : i32
      %dma_wait3A_589 = tpu.memref_slice %arg6[%dma_wait3A_586, %dma_wait3A_587, %dma_wait3A_588] : memref<5x128x128xf32, #tpu.memory_space<vmem>> -> memref<1x128x128xf32, #tpu.memory_space<vmem>>
      tpu.wait_dma2 semaphore(%dma_wait3A_581 : memref<!tpu.dma_semaphore, #tpu.memory_space<semaphore_mem>>) src(%dma_wait3A_589 : memref<1x128x128xf32, #tpu.memory_space<vmem>>) dst(%dma_wait3A_585 : memref<1x128x128xf32, #tpu.memory_space<hbm>>)
      %dma_start3A_590 = arith.constant 2 : i32
      %dma_start3A_591 = arith.constant 2 : i32
      %dma_start3A_592 = arith.constant 2 : i32
      %dma_start3A_593 = arith.constant 0 : i32
      %dma_start3A_594 = arith.constant 0 : i32
      %dma_start3A_595 = tpu.memref_slice %arg6[%dma_start3A_591, %dma_start3A_593, %dma_start3A_594] : memref<5x128x128xf32, #tpu.memory_space<vmem>> -> memref<1x128x128xf32, #tpu.memory_space<vmem>>
      %dma_start3A_596 = tpu.memref_squeeze %dma_start3A_595 : memref<1x128x128xf32, #tpu.memory_space<vmem>> -> memref<128x128xf32, #tpu.memory_space<vmem>>
      %dma_start3A_597 = arith.constant 0 : i32
      %dma_start3A_598 = tpu.memref_slice %arg5[%dma_start3A_590, %dma_start3A_597] : memref<5x128xi32, #tpu.memory_space<vmem>> -> memref<1x128xi32, #tpu.memory_space<vmem>>
      %dma_start3A_599 = tpu.memref_squeeze %dma_start3A_598 : memref<1x128xi32, #tpu.memory_space<vmem>> -> memref<128xi32, #tpu.memory_space<vmem>>
      %dma_start3A_600 = arith.constant 0 : i32
      %dma_start3A_601 = arith.constant 0 : i32
      %dma_start3A_602 = tpu.memref_slice %arg3[%dma_start3A_600, %dma_start3A_601] : memref<1000000x128xf32, #tpu.memory_space<hbm>> -> memref<1000000x128xf32, #tpu.memory_space<hbm>>
      %dma_start3A_603 = tpu.memref_slice %arg7[%dma_start3A_592] : memref<5x!tpu.dma_semaphore, #tpu.memory_space<semaphore_mem>> -> memref<1x!tpu.dma_semaphore, #tpu.memory_space<semaphore_mem>>
      %dma_start3A_604 = tpu.memref_squeeze %dma_start3A_603 : memref<1x!tpu.dma_semaphore, #tpu.memory_space<semaphore_mem>> -> memref<!tpu.dma_semaphore, #tpu.memory_space<semaphore_mem>>
      tpu.enqueue_indirect_dma source(%dma_start3A_602 : memref<1000000x128xf32, #tpu.memory_space<hbm>>) target(%dma_start3A_596 : memref<128x128xf32, #tpu.memory_space<vmem>>) offsets(%dma_start3A_599 : memref<128xi32, #tpu.memory_space<vmem>>) semaphore(%dma_start3A_604 : memref<!tpu.dma_semaphore, #tpu.memory_space<semaphore_mem>>)
      %add3A_605 = arith.constant 3 : i32
      %add3A_606 = arith.addi %mul3A_373, %add3A_605 : i32
      %dma_wait3A_607 = arith.constant 3 : i32
      %dma_wait3A_608 = arith.constant 3 : i32
      %dma_wait3A_609 = arith.constant 0 : i32
      %dma_wait3A_610 = arith.constant 0 : i32
      %dma_wait3A_611 = tpu.memref_slice %arg6[%dma_wait3A_607, %dma_wait3A_609, %dma_wait3A_610] : memref<5x128x128xf32, #tpu.memory_space<vmem>> -> memref<1x128x128xf32, #tpu.memory_space<vmem>>
      %dma_wait3A_612 = tpu.memref_squeeze %dma_wait3A_611 : memref<1x128x128xf32, #tpu.memory_space<vmem>> -> memref<128x128xf32, #tpu.memory_space<vmem>>
      %dma_wait3A_613 = arith.constant 0 : i32
      %dma_wait3A_614 = arith.constant 0 : i32
      %dma_wait3A_615 = tpu.memref_slice %arg3[%dma_wait3A_613, %dma_wait3A_614] : memref<1000000x128xf32, #tpu.memory_space<hbm>> -> memref<128x128xf32, #tpu.memory_space<hbm>>
      %dma_wait3A_616 = tpu.memref_slice %arg7[%dma_wait3A_608] : memref<5x!tpu.dma_semaphore, #tpu.memory_space<semaphore_mem>> -> memref<1x!tpu.dma_semaphore, #tpu.memory_space<semaphore_mem>>
      %dma_wait3A_617 = tpu.memref_squeeze %dma_wait3A_616 : memref<1x!tpu.dma_semaphore, #tpu.memory_space<semaphore_mem>> -> memref<!tpu.dma_semaphore, #tpu.memory_space<semaphore_mem>>
      %dma_wait3A_618 = arith.constant 0 : i32
      %dma_wait3A_619 = arith.constant 0 : i32
      %dma_wait3A_620 = tpu.memref_slice %arg6[%dma_wait3A_607, %dma_wait3A_618, %dma_wait3A_619] : memref<5x128x128xf32, #tpu.memory_space<vmem>> -> memref<1x128x128xf32, #tpu.memory_space<vmem>>
      %dma_wait3A_621 = tpu.memref_squeeze %dma_wait3A_620 : memref<1x128x128xf32, #tpu.memory_space<vmem>> -> memref<128x128xf32, #tpu.memory_space<vmem>>
      %dma_wait3A_622 = arith.constant 0 : i32
      %dma_wait3A_623 = arith.constant 0 : i32
      %dma_wait3A_624 = tpu.memref_slice %arg3[%dma_wait3A_622, %dma_wait3A_623] : memref<1000000x128xf32, #tpu.memory_space<hbm>> -> memref<128x128xf32, #tpu.memory_space<hbm>>
      tpu.wait_dma2 semaphore(%dma_wait3A_617 : memref<!tpu.dma_semaphore, #tpu.memory_space<semaphore_mem>>) src(%dma_wait3A_624 : memref<128x128xf32, #tpu.memory_space<hbm>>) dst(%dma_wait3A_621 : memref<128x128xf32, #tpu.memory_space<vmem>>)
      %add3A_625 = arith.addi %mul3A_2, %add3A_606 : i32
      %dma_start3A_626 = arith.constant 3 : i32
      %dma_start3A_627 = arith.constant 3 : i32
      %dma_start3A_628 = arith.constant 0 : i32
      %dma_start3A_629 = arith.constant 0 : i32
      %dma_start3A_630 = tpu.memref_slice %arg6[%dma_start3A_627, %dma_start3A_628, %dma_start3A_629] : memref<5x128x128xf32, #tpu.memory_space<vmem>> -> memref<1x128x128xf32, #tpu.memory_space<vmem>>
      %dma_start3A_631 = arith.constant 0 : i32
      %dma_start3A_632 = arith.constant 0 : i32
      %dma_start3A_633 = tpu.memref_slice %arg4[%add3A_625, %dma_start3A_631, %dma_start3A_632] : memref<6400x128x128xf32, #tpu.memory_space<hbm>> -> memref<1x128x128xf32, #tpu.memory_space<hbm>>
      %dma_start3A_634 = tpu.memref_slice %arg8[%dma_start3A_626] : memref<5x!tpu.dma_semaphore, #tpu.memory_space<semaphore_mem>> -> memref<1x!tpu.dma_semaphore, #tpu.memory_space<semaphore_mem>>
      %dma_start3A_635 = tpu.memref_squeeze %dma_start3A_634 : memref<1x!tpu.dma_semaphore, #tpu.memory_space<semaphore_mem>> -> memref<!tpu.dma_semaphore, #tpu.memory_space<semaphore_mem>>
      %dma_start3A_636 = arith.constant 0 : i32
      %dma_start3A_637 = arith.constant 0 : i32
      %dma_start3A_638 = tpu.memref_slice %arg4[%add3A_625, %dma_start3A_636, %dma_start3A_637] : memref<6400x128x128xf32, #tpu.memory_space<hbm>> -> memref<1x128x128xf32, #tpu.memory_space<hbm>>
      %dma_start3A_639 = arith.constant 3 : i32
      %dma_start3A_640 = arith.constant 0 : i32
      %dma_start3A_641 = arith.constant 0 : i32
      %dma_start3A_642 = tpu.memref_slice %arg6[%dma_start3A_639, %dma_start3A_640, %dma_start3A_641] : memref<5x128x128xf32, #tpu.memory_space<vmem>> -> memref<1x128x128xf32, #tpu.memory_space<vmem>>
      tpu.enqueue_dma source(%dma_start3A_642 : memref<1x128x128xf32, #tpu.memory_space<vmem>>) target(%dma_start3A_638 : memref<1x128x128xf32, #tpu.memory_space<hbm>>) target_semaphore(%dma_start3A_635 : memref<!tpu.dma_semaphore, #tpu.memory_space<semaphore_mem>>)
      %add3A_643 = arith.constant 5 : i32
      %add3A_644 = arith.addi %mul3A_373, %add3A_643 : i32
      %add3A_645 = arith.constant 3 : i32
      %add3A_646 = arith.addi %add3A_644, %add3A_645 : i32
      %add3A_647 = arith.addi %mul3A_2, %add3A_646 : i32
      "tpu.region"() ({
        %run_scoped3A = tpu.sem_alloc : memref<!tpu.dma_semaphore, #tpu.memory_space<semaphore_mem>>
        %dma_start3A_759 = arith.constant 3 : i32
        %dma_start3A_760 = arith.constant 0 : i32
        %dma_start3A_761 = tpu.memref_slice %arg5[%dma_start3A_759, %dma_start3A_760] : memref<5x128xi32, #tpu.memory_space<vmem>> -> memref<1x128xi32, #tpu.memory_space<vmem>>
        %dma_start3A_762 = arith.constant 0 : i32
        %dma_start3A_763 = tpu.memref_slice %arg2[%add3A_647, %dma_start3A_762] : memref<6400x128xi32, #tpu.memory_space<hbm>> -> memref<1x128xi32, #tpu.memory_space<hbm>>
        %dma_start3A_764 = arith.constant 3 : i32
        %dma_start3A_765 = arith.constant 0 : i32
        %dma_start3A_766 = tpu.memref_slice %arg5[%dma_start3A_764, %dma_start3A_765] : memref<5x128xi32, #tpu.memory_space<vmem>> -> memref<1x128xi32, #tpu.memory_space<vmem>>
        %dma_start3A_767 = arith.constant 0 : i32
        %dma_start3A_768 = tpu.memref_slice %arg2[%add3A_647, %dma_start3A_767] : memref<6400x128xi32, #tpu.memory_space<hbm>> -> memref<1x128xi32, #tpu.memory_space<hbm>>
        tpu.enqueue_dma source(%dma_start3A_768 : memref<1x128xi32, #tpu.memory_space<hbm>>) target(%dma_start3A_766 : memref<1x128xi32, #tpu.memory_space<vmem>>) target_semaphore(%run_scoped3A : memref<!tpu.dma_semaphore, #tpu.memory_space<semaphore_mem>>)
        %dma_wait3A_769 = arith.constant 3 : i32
        %dma_wait3A_770 = arith.constant 0 : i32
        %dma_wait3A_771 = tpu.memref_slice %arg5[%dma_wait3A_769, %dma_wait3A_770] : memref<5x128xi32, #tpu.memory_space<vmem>> -> memref<1x128xi32, #tpu.memory_space<vmem>>
        %dma_wait3A_772 = arith.constant 0 : i32
        %dma_wait3A_773 = tpu.memref_slice %arg2[%add3A_647, %dma_wait3A_772] : memref<6400x128xi32, #tpu.memory_space<hbm>> -> memref<1x128xi32, #tpu.memory_space<hbm>>
        %dma_wait3A_774 = arith.constant 3 : i32
        %dma_wait3A_775 = arith.constant 0 : i32
        %dma_wait3A_776 = tpu.memref_slice %arg5[%dma_wait3A_774, %dma_wait3A_775] : memref<5x128xi32, #tpu.memory_space<vmem>> -> memref<1x128xi32, #tpu.memory_space<vmem>>
        %dma_wait3A_777 = arith.constant 0 : i32
        %dma_wait3A_778 = tpu.memref_slice %arg2[%add3A_647, %dma_wait3A_777] : memref<6400x128xi32, #tpu.memory_space<hbm>> -> memref<1x128xi32, #tpu.memory_space<hbm>>
        tpu.wait_dma2 semaphore(%run_scoped3A : memref<!tpu.dma_semaphore, #tpu.memory_space<semaphore_mem>>) src(%dma_wait3A_778 : memref<1x128xi32, #tpu.memory_space<hbm>>) dst(%dma_wait3A_776 : memref<1x128xi32, #tpu.memory_space<vmem>>)
        tpu.yield
      }) : () -> ()
      %dma_wait3A_648 = arith.constant 3 : i32
      %dma_wait3A_649 = arith.constant 3 : i32
      %dma_wait3A_650 = arith.constant 0 : i32
      %dma_wait3A_651 = arith.constant 0 : i32
      %dma_wait3A_652 = tpu.memref_slice %arg6[%dma_wait3A_649, %dma_wait3A_650, %dma_wait3A_651] : memref<5x128x128xf32, #tpu.memory_space<vmem>> -> memref<1x128x128xf32, #tpu.memory_space<vmem>>
      %dma_wait3A_653 = arith.constant 0 : i32
      %dma_wait3A_654 = arith.constant 0 : i32
      %dma_wait3A_655 = arith.constant 0 : i32
      %dma_wait3A_656 = tpu.memref_slice %arg4[%dma_wait3A_653, %dma_wait3A_654, %dma_wait3A_655] : memref<6400x128x128xf32, #tpu.memory_space<hbm>> -> memref<1x128x128xf32, #tpu.memory_space<hbm>>
      %dma_wait3A_657 = tpu.memref_slice %arg8[%dma_wait3A_648] : memref<5x!tpu.dma_semaphore, #tpu.memory_space<semaphore_mem>> -> memref<1x!tpu.dma_semaphore, #tpu.memory_space<semaphore_mem>>
      %dma_wait3A_658 = tpu.memref_squeeze %dma_wait3A_657 : memref<1x!tpu.dma_semaphore, #tpu.memory_space<semaphore_mem>> -> memref<!tpu.dma_semaphore, #tpu.memory_space<semaphore_mem>>
      %dma_wait3A_659 = arith.constant 0 : i32
      %dma_wait3A_660 = arith.constant 0 : i32
      %dma_wait3A_661 = arith.constant 0 : i32
      %dma_wait3A_662 = tpu.memref_slice %arg4[%dma_wait3A_659, %dma_wait3A_660, %dma_wait3A_661] : memref<6400x128x128xf32, #tpu.memory_space<hbm>> -> memref<1x128x128xf32, #tpu.memory_space<hbm>>
      %dma_wait3A_663 = arith.constant 3 : i32
      %dma_wait3A_664 = arith.constant 0 : i32
      %dma_wait3A_665 = arith.constant 0 : i32
      %dma_wait3A_666 = tpu.memref_slice %arg6[%dma_wait3A_663, %dma_wait3A_664, %dma_wait3A_665] : memref<5x128x128xf32, #tpu.memory_space<vmem>> -> memref<1x128x128xf32, #tpu.memory_space<vmem>>
      tpu.wait_dma2 semaphore(%dma_wait3A_658 : memref<!tpu.dma_semaphore, #tpu.memory_space<semaphore_mem>>) src(%dma_wait3A_666 : memref<1x128x128xf32, #tpu.memory_space<vmem>>) dst(%dma_wait3A_662 : memref<1x128x128xf32, #tpu.memory_space<hbm>>)
      %dma_start3A_667 = arith.constant 3 : i32
      %dma_start3A_668 = arith.constant 3 : i32
      %dma_start3A_669 = arith.constant 3 : i32
      %dma_start3A_670 = arith.constant 0 : i32
      %dma_start3A_671 = arith.constant 0 : i32
      %dma_start3A_672 = tpu.memref_slice %arg6[%dma_start3A_668, %dma_start3A_670, %dma_start3A_671] : memref<5x128x128xf32, #tpu.memory_space<vmem>> -> memref<1x128x128xf32, #tpu.memory_space<vmem>>
      %dma_start3A_673 = tpu.memref_squeeze %dma_start3A_672 : memref<1x128x128xf32, #tpu.memory_space<vmem>> -> memref<128x128xf32, #tpu.memory_space<vmem>>
      %dma_start3A_674 = arith.constant 0 : i32
      %dma_start3A_675 = tpu.memref_slice %arg5[%dma_start3A_667, %dma_start3A_674] : memref<5x128xi32, #tpu.memory_space<vmem>> -> memref<1x128xi32, #tpu.memory_space<vmem>>
      %dma_start3A_676 = tpu.memref_squeeze %dma_start3A_675 : memref<1x128xi32, #tpu.memory_space<vmem>> -> memref<128xi32, #tpu.memory_space<vmem>>
      %dma_start3A_677 = arith.constant 0 : i32
      %dma_start3A_678 = arith.constant 0 : i32
      %dma_start3A_679 = tpu.memref_slice %arg3[%dma_start3A_677, %dma_start3A_678] : memref<1000000x128xf32, #tpu.memory_space<hbm>> -> memref<1000000x128xf32, #tpu.memory_space<hbm>>
      %dma_start3A_680 = tpu.memref_slice %arg7[%dma_start3A_669] : memref<5x!tpu.dma_semaphore, #tpu.memory_space<semaphore_mem>> -> memref<1x!tpu.dma_semaphore, #tpu.memory_space<semaphore_mem>>
      %dma_start3A_681 = tpu.memref_squeeze %dma_start3A_680 : memref<1x!tpu.dma_semaphore, #tpu.memory_space<semaphore_mem>> -> memref<!tpu.dma_semaphore, #tpu.memory_space<semaphore_mem>>
      tpu.enqueue_indirect_dma source(%dma_start3A_679 : memref<1000000x128xf32, #tpu.memory_space<hbm>>) target(%dma_start3A_673 : memref<128x128xf32, #tpu.memory_space<vmem>>) offsets(%dma_start3A_676 : memref<128xi32, #tpu.memory_space<vmem>>) semaphore(%dma_start3A_681 : memref<!tpu.dma_semaphore, #tpu.memory_space<semaphore_mem>>)
      %add3A_682 = arith.constant 4 : i32
      %add3A_683 = arith.addi %mul3A_373, %add3A_682 : i32
      %dma_wait3A_684 = arith.constant 4 : i32
      %dma_wait3A_685 = arith.constant 4 : i32
      %dma_wait3A_686 = arith.constant 0 : i32
      %dma_wait3A_687 = arith.constant 0 : i32
      %dma_wait3A_688 = tpu.memref_slice %arg6[%dma_wait3A_684, %dma_wait3A_686, %dma_wait3A_687] : memref<5x128x128xf32, #tpu.memory_space<vmem>> -> memref<1x128x128xf32, #tpu.memory_space<vmem>>
      %dma_wait3A_689 = tpu.memref_squeeze %dma_wait3A_688 : memref<1x128x128xf32, #tpu.memory_space<vmem>> -> memref<128x128xf32, #tpu.memory_space<vmem>>
      %dma_wait3A_690 = arith.constant 0 : i32
      %dma_wait3A_691 = arith.constant 0 : i32
      %dma_wait3A_692 = tpu.memref_slice %arg3[%dma_wait3A_690, %dma_wait3A_691] : memref<1000000x128xf32, #tpu.memory_space<hbm>> -> memref<128x128xf32, #tpu.memory_space<hbm>>
      %dma_wait3A_693 = tpu.memref_slice %arg7[%dma_wait3A_685] : memref<5x!tpu.dma_semaphore, #tpu.memory_space<semaphore_mem>> -> memref<1x!tpu.dma_semaphore, #tpu.memory_space<semaphore_mem>>
      %dma_wait3A_694 = tpu.memref_squeeze %dma_wait3A_693 : memref<1x!tpu.dma_semaphore, #tpu.memory_space<semaphore_mem>> -> memref<!tpu.dma_semaphore, #tpu.memory_space<semaphore_mem>>
      %dma_wait3A_695 = arith.constant 0 : i32
      %dma_wait3A_696 = arith.constant 0 : i32
      %dma_wait3A_697 = tpu.memref_slice %arg6[%dma_wait3A_684, %dma_wait3A_695, %dma_wait3A_696] : memref<5x128x128xf32, #tpu.memory_space<vmem>> -> memref<1x128x128xf32, #tpu.memory_space<vmem>>
      %dma_wait3A_698 = tpu.memref_squeeze %dma_wait3A_697 : memref<1x128x128xf32, #tpu.memory_space<vmem>> -> memref<128x128xf32, #tpu.memory_space<vmem>>
      %dma_wait3A_699 = arith.constant 0 : i32
      %dma_wait3A_700 = arith.constant 0 : i32
      %dma_wait3A_701 = tpu.memref_slice %arg3[%dma_wait3A_699, %dma_wait3A_700] : memref<1000000x128xf32, #tpu.memory_space<hbm>> -> memref<128x128xf32, #tpu.memory_space<hbm>>
      tpu.wait_dma2 semaphore(%dma_wait3A_694 : memref<!tpu.dma_semaphore, #tpu.memory_space<semaphore_mem>>) src(%dma_wait3A_701 : memref<128x128xf32, #tpu.memory_space<hbm>>) dst(%dma_wait3A_698 : memref<128x128xf32, #tpu.memory_space<vmem>>)
      %add3A_702 = arith.addi %mul3A_2, %add3A_683 : i32
      %dma_start3A_703 = arith.constant 4 : i32
      %dma_start3A_704 = arith.constant 4 : i32
      %dma_start3A_705 = arith.constant 0 : i32
      %dma_start3A_706 = arith.constant 0 : i32
      %dma_start3A_707 = tpu.memref_slice %arg6[%dma_start3A_704, %dma_start3A_705, %dma_start3A_706] : memref<5x128x128xf32, #tpu.memory_space<vmem>> -> memref<1x128x128xf32, #tpu.memory_space<vmem>>
      %dma_start3A_708 = arith.constant 0 : i32
      %dma_start3A_709 = arith.constant 0 : i32
      %dma_start3A_710 = tpu.memref_slice %arg4[%add3A_702, %dma_start3A_708, %dma_start3A_709] : memref<6400x128x128xf32, #tpu.memory_space<hbm>> -> memref<1x128x128xf32, #tpu.memory_space<hbm>>
      %dma_start3A_711 = tpu.memref_slice %arg8[%dma_start3A_703] : memref<5x!tpu.dma_semaphore, #tpu.memory_space<semaphore_mem>> -> memref<1x!tpu.dma_semaphore, #tpu.memory_space<semaphore_mem>>
      %dma_start3A_712 = tpu.memref_squeeze %dma_start3A_711 : memref<1x!tpu.dma_semaphore, #tpu.memory_space<semaphore_mem>> -> memref<!tpu.dma_semaphore, #tpu.memory_space<semaphore_mem>>
      %dma_start3A_713 = arith.constant 0 : i32
      %dma_start3A_714 = arith.constant 0 : i32
      %dma_start3A_715 = tpu.memref_slice %arg4[%add3A_702, %dma_start3A_713, %dma_start3A_714] : memref<6400x128x128xf32, #tpu.memory_space<hbm>> -> memref<1x128x128xf32, #tpu.memory_space<hbm>>
      %dma_start3A_716 = arith.constant 4 : i32
      %dma_start3A_717 = arith.constant 0 : i32
      %dma_start3A_718 = arith.constant 0 : i32
      %dma_start3A_719 = tpu.memref_slice %arg6[%dma_start3A_716, %dma_start3A_717, %dma_start3A_718] : memref<5x128x128xf32, #tpu.memory_space<vmem>> -> memref<1x128x128xf32, #tpu.memory_space<vmem>>
      tpu.enqueue_dma source(%dma_start3A_719 : memref<1x128x128xf32, #tpu.memory_space<vmem>>) target(%dma_start3A_715 : memref<1x128x128xf32, #tpu.memory_space<hbm>>) target_semaphore(%dma_start3A_712 : memref<!tpu.dma_semaphore, #tpu.memory_space<semaphore_mem>>)
      %add3A_720 = arith.constant 5 : i32
      %add3A_721 = arith.addi %mul3A_373, %add3A_720 : i32
      %add3A_722 = arith.constant 4 : i32
      %add3A_723 = arith.addi %add3A_721, %add3A_722 : i32
      %add3A_724 = arith.addi %mul3A_2, %add3A_723 : i32
      "tpu.region"() ({
        %run_scoped3A = tpu.sem_alloc : memref<!tpu.dma_semaphore, #tpu.memory_space<semaphore_mem>>
        %dma_start3A_759 = arith.constant 4 : i32
        %dma_start3A_760 = arith.constant 0 : i32
        %dma_start3A_761 = tpu.memref_slice %arg5[%dma_start3A_759, %dma_start3A_760] : memref<5x128xi32, #tpu.memory_space<vmem>> -> memref<1x128xi32, #tpu.memory_space<vmem>>
        %dma_start3A_762 = arith.constant 0 : i32
        %dma_start3A_763 = tpu.memref_slice %arg2[%add3A_724, %dma_start3A_762] : memref<6400x128xi32, #tpu.memory_space<hbm>> -> memref<1x128xi32, #tpu.memory_space<hbm>>
        %dma_start3A_764 = arith.constant 4 : i32
        %dma_start3A_765 = arith.constant 0 : i32
        %dma_start3A_766 = tpu.memref_slice %arg5[%dma_start3A_764, %dma_start3A_765] : memref<5x128xi32, #tpu.memory_space<vmem>> -> memref<1x128xi32, #tpu.memory_space<vmem>>
        %dma_start3A_767 = arith.constant 0 : i32
        %dma_start3A_768 = tpu.memref_slice %arg2[%add3A_724, %dma_start3A_767] : memref<6400x128xi32, #tpu.memory_space<hbm>> -> memref<1x128xi32, #tpu.memory_space<hbm>>
        tpu.enqueue_dma source(%dma_start3A_768 : memref<1x128xi32, #tpu.memory_space<hbm>>) target(%dma_start3A_766 : memref<1x128xi32, #tpu.memory_space<vmem>>) target_semaphore(%run_scoped3A : memref<!tpu.dma_semaphore, #tpu.memory_space<semaphore_mem>>)
        %dma_wait3A_769 = arith.constant 4 : i32
        %dma_wait3A_770 = arith.constant 0 : i32
        %dma_wait3A_771 = tpu.memref_slice %arg5[%dma_wait3A_769, %dma_wait3A_770] : memref<5x128xi32, #tpu.memory_space<vmem>> -> memref<1x128xi32, #tpu.memory_space<vmem>>
        %dma_wait3A_772 = arith.constant 0 : i32
        %dma_wait3A_773 = tpu.memref_slice %arg2[%add3A_724, %dma_wait3A_772] : memref<6400x128xi32, #tpu.memory_space<hbm>> -> memref<1x128xi32, #tpu.memory_space<hbm>>
        %dma_wait3A_774 = arith.constant 4 : i32
        %dma_wait3A_775 = arith.constant 0 : i32
        %dma_wait3A_776 = tpu.memref_slice %arg5[%dma_wait3A_774, %dma_wait3A_775] : memref<5x128xi32, #tpu.memory_space<vmem>> -> memref<1x128xi32, #tpu.memory_space<vmem>>
        %dma_wait3A_777 = arith.constant 0 : i32
        %dma_wait3A_778 = tpu.memref_slice %arg2[%add3A_724, %dma_wait3A_777] : memref<6400x128xi32, #tpu.memory_space<hbm>> -> memref<1x128xi32, #tpu.memory_space<hbm>>
        tpu.wait_dma2 semaphore(%run_scoped3A : memref<!tpu.dma_semaphore, #tpu.memory_space<semaphore_mem>>) src(%dma_wait3A_778 : memref<1x128xi32, #tpu.memory_space<hbm>>) dst(%dma_wait3A_776 : memref<1x128xi32, #tpu.memory_space<vmem>>)
        tpu.yield
      }) : () -> ()
      %dma_wait3A_725 = arith.constant 4 : i32
      %dma_wait3A_726 = arith.constant 4 : i32
      %dma_wait3A_727 = arith.constant 0 : i32
      %dma_wait3A_728 = arith.constant 0 : i32
      %dma_wait3A_729 = tpu.memref_slice %arg6[%dma_wait3A_726, %dma_wait3A_727, %dma_wait3A_728] : memref<5x128x128xf32, #tpu.memory_space<vmem>> -> memref<1x128x128xf32, #tpu.memory_space<vmem>>
      %dma_wait3A_730 = arith.constant 0 : i32
      %dma_wait3A_731 = arith.constant 0 : i32
      %dma_wait3A_732 = arith.constant 0 : i32
      %dma_wait3A_733 = tpu.memref_slice %arg4[%dma_wait3A_730, %dma_wait3A_731, %dma_wait3A_732] : memref<6400x128x128xf32, #tpu.memory_space<hbm>> -> memref<1x128x128xf32, #tpu.memory_space<hbm>>
      %dma_wait3A_734 = tpu.memref_slice %arg8[%dma_wait3A_725] : memref<5x!tpu.dma_semaphore, #tpu.memory_space<semaphore_mem>> -> memref<1x!tpu.dma_semaphore, #tpu.memory_space<semaphore_mem>>
      %dma_wait3A_735 = tpu.memref_squeeze %dma_wait3A_734 : memref<1x!tpu.dma_semaphore, #tpu.memory_space<semaphore_mem>> -> memref<!tpu.dma_semaphore, #tpu.memory_space<semaphore_mem>>
      %dma_wait3A_736 = arith.constant 0 : i32
      %dma_wait3A_737 = arith.constant 0 : i32
      %dma_wait3A_738 = arith.constant 0 : i32
      %dma_wait3A_739 = tpu.memref_slice %arg4[%dma_wait3A_736, %dma_wait3A_737, %dma_wait3A_738] : memref<6400x128x128xf32, #tpu.memory_space<hbm>> -> memref<1x128x128xf32, #tpu.memory_space<hbm>>
      %dma_wait3A_740 = arith.constant 4 : i32
      %dma_wait3A_741 = arith.constant 0 : i32
      %dma_wait3A_742 = arith.constant 0 : i32
      %dma_wait3A_743 = tpu.memref_slice %arg6[%dma_wait3A_740, %dma_wait3A_741, %dma_wait3A_742] : memref<5x128x128xf32, #tpu.memory_space<vmem>> -> memref<1x128x128xf32, #tpu.memory_space<vmem>>
      tpu.wait_dma2 semaphore(%dma_wait3A_735 : memref<!tpu.dma_semaphore, #tpu.memory_space<semaphore_mem>>) src(%dma_wait3A_743 : memref<1x128x128xf32, #tpu.memory_space<vmem>>) dst(%dma_wait3A_739 : memref<1x128x128xf32, #tpu.memory_space<hbm>>)
      %dma_start3A_744 = arith.constant 4 : i32
      %dma_start3A_745 = arith.constant 4 : i32
      %dma_start3A_746 = arith.constant 4 : i32
      %dma_start3A_747 = arith.constant 0 : i32
      %dma_start3A_748 = arith.constant 0 : i32
      %dma_start3A_749 = tpu.memref_slice %arg6[%dma_start3A_745, %dma_start3A_747, %dma_start3A_748] : memref<5x128x128xf32, #tpu.memory_space<vmem>> -> memref<1x128x128xf32, #tpu.memory_space<vmem>>
      %dma_start3A_750 = tpu.memref_squeeze %dma_start3A_749 : memref<1x128x128xf32, #tpu.memory_space<vmem>> -> memref<128x128xf32, #tpu.memory_space<vmem>>
      %dma_start3A_751 = arith.constant 0 : i32
      %dma_start3A_752 = tpu.memref_slice %arg5[%dma_start3A_744, %dma_start3A_751] : memref<5x128xi32, #tpu.memory_space<vmem>> -> memref<1x128xi32, #tpu.memory_space<vmem>>
      %dma_start3A_753 = tpu.memref_squeeze %dma_start3A_752 : memref<1x128xi32, #tpu.memory_space<vmem>> -> memref<128xi32, #tpu.memory_space<vmem>>
      %dma_start3A_754 = arith.constant 0 : i32
      %dma_start3A_755 = arith.constant 0 : i32
      %dma_start3A_756 = tpu.memref_slice %arg3[%dma_start3A_754, %dma_start3A_755] : memref<1000000x128xf32, #tpu.memory_space<hbm>> -> memref<1000000x128xf32, #tpu.memory_space<hbm>>
      %dma_start3A_757 = tpu.memref_slice %arg7[%dma_start3A_746] : memref<5x!tpu.dma_semaphore, #tpu.memory_space<semaphore_mem>> -> memref<1x!tpu.dma_semaphore, #tpu.memory_space<semaphore_mem>>
      %dma_start3A_758 = tpu.memref_squeeze %dma_start3A_757 : memref<1x!tpu.dma_semaphore, #tpu.memory_space<semaphore_mem>> -> memref<!tpu.dma_semaphore, #tpu.memory_space<semaphore_mem>>
      tpu.enqueue_indirect_dma source(%dma_start3A_756 : memref<1000000x128xf32, #tpu.memory_space<hbm>>) target(%dma_start3A_750 : memref<128x128xf32, #tpu.memory_space<vmem>>) offsets(%dma_start3A_753 : memref<128xi32, #tpu.memory_space<vmem>>) semaphore(%dma_start3A_758 : memref<!tpu.dma_semaphore, #tpu.memory_space<semaphore_mem>>)
    }
    %scan3A_91 = arith.constant 39 : i32
    %dma_wait3A = arith.constant 0 : i32
    %dma_wait3A_92 = arith.constant 0 : i32
    %dma_wait3A_93 = arith.constant 0 : i32
    %dma_wait3A_94 = arith.constant 0 : i32
    %dma_wait3A_95 = tpu.memref_slice %arg6[%dma_wait3A, %dma_wait3A_93, %dma_wait3A_94] : memref<5x128x128xf32, #tpu.memory_space<vmem>> -> memref<1x128x128xf32, #tpu.memory_space<vmem>>
    %dma_wait3A_96 = tpu.memref_squeeze %dma_wait3A_95 : memref<1x128x128xf32, #tpu.memory_space<vmem>> -> memref<128x128xf32, #tpu.memory_space<vmem>>
    %dma_wait3A_97 = arith.constant 0 : i32
    %dma_wait3A_98 = arith.constant 0 : i32
    %dma_wait3A_99 = tpu.memref_slice %arg3[%dma_wait3A_97, %dma_wait3A_98] : memref<1000000x128xf32, #tpu.memory_space<hbm>> -> memref<128x128xf32, #tpu.memory_space<hbm>>
    %dma_wait3A_100 = tpu.memref_slice %arg7[%dma_wait3A_92] : memref<5x!tpu.dma_semaphore, #tpu.memory_space<semaphore_mem>> -> memref<1x!tpu.dma_semaphore, #tpu.memory_space<semaphore_mem>>
    %dma_wait3A_101 = tpu.memref_squeeze %dma_wait3A_100 : memref<1x!tpu.dma_semaphore, #tpu.memory_space<semaphore_mem>> -> memref<!tpu.dma_semaphore, #tpu.memory_space<semaphore_mem>>
    %dma_wait3A_102 = arith.constant 0 : i32
    %dma_wait3A_103 = arith.constant 0 : i32
    %dma_wait3A_104 = tpu.memref_slice %arg6[%dma_wait3A, %dma_wait3A_102, %dma_wait3A_103] : memref<5x128x128xf32, #tpu.memory_space<vmem>> -> memref<1x128x128xf32, #tpu.memory_space<vmem>>
    %dma_wait3A_105 = tpu.memref_squeeze %dma_wait3A_104 : memref<1x128x128xf32, #tpu.memory_space<vmem>> -> memref<128x128xf32, #tpu.memory_space<vmem>>
    %dma_wait3A_106 = arith.constant 0 : i32
    %dma_wait3A_107 = arith.constant 0 : i32
    %dma_wait3A_108 = tpu.memref_slice %arg3[%dma_wait3A_106, %dma_wait3A_107] : memref<1000000x128xf32, #tpu.memory_space<hbm>> -> memref<128x128xf32, #tpu.memory_space<hbm>>
    tpu.wait_dma2 semaphore(%dma_wait3A_101 : memref<!tpu.dma_semaphore, #tpu.memory_space<semaphore_mem>>) src(%dma_wait3A_108 : memref<128x128xf32, #tpu.memory_space<hbm>>) dst(%dma_wait3A_105 : memref<128x128xf32, #tpu.memory_space<vmem>>)
    %add3A_109 = arith.constant 195 : i32
    %add3A_110 = arith.addi %mul3A_2, %add3A_109 : i32
    %dma_start3A_111 = arith.constant 0 : i32
    %dma_start3A_112 = arith.constant 0 : i32
    %dma_start3A_113 = arith.constant 0 : i32
    %dma_start3A_114 = arith.constant 0 : i32
    %dma_start3A_115 = tpu.memref_slice %arg6[%dma_start3A_112, %dma_start3A_113, %dma_start3A_114] : memref<5x128x128xf32, #tpu.memory_space<vmem>> -> memref<1x128x128xf32, #tpu.memory_space<vmem>>
    %dma_start3A_116 = arith.constant 0 : i32
    %dma_start3A_117 = arith.constant 0 : i32
    %dma_start3A_118 = tpu.memref_slice %arg4[%add3A_110, %dma_start3A_116, %dma_start3A_117] : memref<6400x128x128xf32, #tpu.memory_space<hbm>> -> memref<1x128x128xf32, #tpu.memory_space<hbm>>
    %dma_start3A_119 = tpu.memref_slice %arg8[%dma_start3A_111] : memref<5x!tpu.dma_semaphore, #tpu.memory_space<semaphore_mem>> -> memref<1x!tpu.dma_semaphore, #tpu.memory_space<semaphore_mem>>
    %dma_start3A_120 = tpu.memref_squeeze %dma_start3A_119 : memref<1x!tpu.dma_semaphore, #tpu.memory_space<semaphore_mem>> -> memref<!tpu.dma_semaphore, #tpu.memory_space<semaphore_mem>>
    %dma_start3A_121 = arith.constant 0 : i32
    %dma_start3A_122 = arith.constant 0 : i32
    %dma_start3A_123 = tpu.memref_slice %arg4[%add3A_110, %dma_start3A_121, %dma_start3A_122] : memref<6400x128x128xf32, #tpu.memory_space<hbm>> -> memref<1x128x128xf32, #tpu.memory_space<hbm>>
    %dma_start3A_124 = arith.constant 0 : i32
    %dma_start3A_125 = arith.constant 0 : i32
    %dma_start3A_126 = arith.constant 0 : i32
    %dma_start3A_127 = tpu.memref_slice %arg6[%dma_start3A_124, %dma_start3A_125, %dma_start3A_126] : memref<5x128x128xf32, #tpu.memory_space<vmem>> -> memref<1x128x128xf32, #tpu.memory_space<vmem>>
    tpu.enqueue_dma source(%dma_start3A_127 : memref<1x128x128xf32, #tpu.memory_space<vmem>>) target(%dma_start3A_123 : memref<1x128x128xf32, #tpu.memory_space<hbm>>) target_semaphore(%dma_start3A_120 : memref<!tpu.dma_semaphore, #tpu.memory_space<semaphore_mem>>)
    %dma_wait3A_128 = arith.constant 1 : i32
    %dma_wait3A_129 = arith.constant 1 : i32
    %dma_wait3A_130 = arith.constant 0 : i32
    %dma_wait3A_131 = arith.constant 0 : i32
    %dma_wait3A_132 = tpu.memref_slice %arg6[%dma_wait3A_128, %dma_wait3A_130, %dma_wait3A_131] : memref<5x128x128xf32, #tpu.memory_space<vmem>> -> memref<1x128x128xf32, #tpu.memory_space<vmem>>
    %dma_wait3A_133 = tpu.memref_squeeze %dma_wait3A_132 : memref<1x128x128xf32, #tpu.memory_space<vmem>> -> memref<128x128xf32, #tpu.memory_space<vmem>>
    %dma_wait3A_134 = arith.constant 0 : i32
    %dma_wait3A_135 = arith.constant 0 : i32
    %dma_wait3A_136 = tpu.memref_slice %arg3[%dma_wait3A_134, %dma_wait3A_135] : memref<1000000x128xf32, #tpu.memory_space<hbm>> -> memref<128x128xf32, #tpu.memory_space<hbm>>
    %dma_wait3A_137 = tpu.memref_slice %arg7[%dma_wait3A_129] : memref<5x!tpu.dma_semaphore, #tpu.memory_space<semaphore_mem>> -> memref<1x!tpu.dma_semaphore, #tpu.memory_space<semaphore_mem>>
    %dma_wait3A_138 = tpu.memref_squeeze %dma_wait3A_137 : memref<1x!tpu.dma_semaphore, #tpu.memory_space<semaphore_mem>> -> memref<!tpu.dma_semaphore, #tpu.memory_space<semaphore_mem>>
    %dma_wait3A_139 = arith.constant 0 : i32
    %dma_wait3A_140 = arith.constant 0 : i32
    %dma_wait3A_141 = tpu.memref_slice %arg6[%dma_wait3A_128, %dma_wait3A_139, %dma_wait3A_140] : memref<5x128x128xf32, #tpu.memory_space<vmem>> -> memref<1x128x128xf32, #tpu.memory_space<vmem>>
    %dma_wait3A_142 = tpu.memref_squeeze %dma_wait3A_141 : memref<1x128x128xf32, #tpu.memory_space<vmem>> -> memref<128x128xf32, #tpu.memory_space<vmem>>
    %dma_wait3A_143 = arith.constant 0 : i32
    %dma_wait3A_144 = arith.constant 0 : i32
    %dma_wait3A_145 = tpu.memref_slice %arg3[%dma_wait3A_143, %dma_wait3A_144] : memref<1000000x128xf32, #tpu.memory_space<hbm>> -> memref<128x128xf32, #tpu.memory_space<hbm>>
    tpu.wait_dma2 semaphore(%dma_wait3A_138 : memref<!tpu.dma_semaphore, #tpu.memory_space<semaphore_mem>>) src(%dma_wait3A_145 : memref<128x128xf32, #tpu.memory_space<hbm>>) dst(%dma_wait3A_142 : memref<128x128xf32, #tpu.memory_space<vmem>>)
    %add3A_146 = arith.constant 196 : i32
    %add3A_147 = arith.addi %mul3A_2, %add3A_146 : i32
    %dma_start3A_148 = arith.constant 1 : i32
    %dma_start3A_149 = arith.constant 1 : i32
    %dma_start3A_150 = arith.constant 0 : i32
    %dma_start3A_151 = arith.constant 0 : i32
    %dma_start3A_152 = tpu.memref_slice %arg6[%dma_start3A_149, %dma_start3A_150, %dma_start3A_151] : memref<5x128x128xf32, #tpu.memory_space<vmem>> -> memref<1x128x128xf32, #tpu.memory_space<vmem>>
    %dma_start3A_153 = arith.constant 0 : i32
    %dma_start3A_154 = arith.constant 0 : i32
    %dma_start3A_155 = tpu.memref_slice %arg4[%add3A_147, %dma_start3A_153, %dma_start3A_154] : memref<6400x128x128xf32, #tpu.memory_space<hbm>> -> memref<1x128x128xf32, #tpu.memory_space<hbm>>
    %dma_start3A_156 = tpu.memref_slice %arg8[%dma_start3A_148] : memref<5x!tpu.dma_semaphore, #tpu.memory_space<semaphore_mem>> -> memref<1x!tpu.dma_semaphore, #tpu.memory_space<semaphore_mem>>
    %dma_start3A_157 = tpu.memref_squeeze %dma_start3A_156 : memref<1x!tpu.dma_semaphore, #tpu.memory_space<semaphore_mem>> -> memref<!tpu.dma_semaphore, #tpu.memory_space<semaphore_mem>>
    %dma_start3A_158 = arith.constant 0 : i32
    %dma_start3A_159 = arith.constant 0 : i32
    %dma_start3A_160 = tpu.memref_slice %arg4[%add3A_147, %dma_start3A_158, %dma_start3A_159] : memref<6400x128x128xf32, #tpu.memory_space<hbm>> -> memref<1x128x128xf32, #tpu.memory_space<hbm>>
    %dma_start3A_161 = arith.constant 1 : i32
    %dma_start3A_162 = arith.constant 0 : i32
    %dma_start3A_163 = arith.constant 0 : i32
    %dma_start3A_164 = tpu.memref_slice %arg6[%dma_start3A_161, %dma_start3A_162, %dma_start3A_163] : memref<5x128x128xf32, #tpu.memory_space<vmem>> -> memref<1x128x128xf32, #tpu.memory_space<vmem>>
    tpu.enqueue_dma source(%dma_start3A_164 : memref<1x128x128xf32, #tpu.memory_space<vmem>>) target(%dma_start3A_160 : memref<1x128x128xf32, #tpu.memory_space<hbm>>) target_semaphore(%dma_start3A_157 : memref<!tpu.dma_semaphore, #tpu.memory_space<semaphore_mem>>)
    %dma_wait3A_165 = arith.constant 2 : i32
    %dma_wait3A_166 = arith.constant 2 : i32
    %dma_wait3A_167 = arith.constant 0 : i32
    %dma_wait3A_168 = arith.constant 0 : i32
    %dma_wait3A_169 = tpu.memref_slice %arg6[%dma_wait3A_165, %dma_wait3A_167, %dma_wait3A_168] : memref<5x128x128xf32, #tpu.memory_space<vmem>> -> memref<1x128x128xf32, #tpu.memory_space<vmem>>
    %dma_wait3A_170 = tpu.memref_squeeze %dma_wait3A_169 : memref<1x128x128xf32, #tpu.memory_space<vmem>> -> memref<128x128xf32, #tpu.memory_space<vmem>>
    %dma_wait3A_171 = arith.constant 0 : i32
    %dma_wait3A_172 = arith.constant 0 : i32
    %dma_wait3A_173 = tpu.memref_slice %arg3[%dma_wait3A_171, %dma_wait3A_172] : memref<1000000x128xf32, #tpu.memory_space<hbm>> -> memref<128x128xf32, #tpu.memory_space<hbm>>
    %dma_wait3A_174 = tpu.memref_slice %arg7[%dma_wait3A_166] : memref<5x!tpu.dma_semaphore, #tpu.memory_space<semaphore_mem>> -> memref<1x!tpu.dma_semaphore, #tpu.memory_space<semaphore_mem>>
    %dma_wait3A_175 = tpu.memref_squeeze %dma_wait3A_174 : memref<1x!tpu.dma_semaphore, #tpu.memory_space<semaphore_mem>> -> memref<!tpu.dma_semaphore, #tpu.memory_space<semaphore_mem>>
    %dma_wait3A_176 = arith.constant 0 : i32
    %dma_wait3A_177 = arith.constant 0 : i32
    %dma_wait3A_178 = tpu.memref_slice %arg6[%dma_wait3A_165, %dma_wait3A_176, %dma_wait3A_177] : memref<5x128x128xf32, #tpu.memory_space<vmem>> -> memref<1x128x128xf32, #tpu.memory_space<vmem>>
    %dma_wait3A_179 = tpu.memref_squeeze %dma_wait3A_178 : memref<1x128x128xf32, #tpu.memory_space<vmem>> -> memref<128x128xf32, #tpu.memory_space<vmem>>
    %dma_wait3A_180 = arith.constant 0 : i32
    %dma_wait3A_181 = arith.constant 0 : i32
    %dma_wait3A_182 = tpu.memref_slice %arg3[%dma_wait3A_180, %dma_wait3A_181] : memref<1000000x128xf32, #tpu.memory_space<hbm>> -> memref<128x128xf32, #tpu.memory_space<hbm>>
    tpu.wait_dma2 semaphore(%dma_wait3A_175 : memref<!tpu.dma_semaphore, #tpu.memory_space<semaphore_mem>>) src(%dma_wait3A_182 : memref<128x128xf32, #tpu.memory_space<hbm>>) dst(%dma_wait3A_179 : memref<128x128xf32, #tpu.memory_space<vmem>>)
    %add3A_183 = arith.constant 197 : i32
    %add3A_184 = arith.addi %mul3A_2, %add3A_183 : i32
    %dma_start3A_185 = arith.constant 2 : i32
    %dma_start3A_186 = arith.constant 2 : i32
    %dma_start3A_187 = arith.constant 0 : i32
    %dma_start3A_188 = arith.constant 0 : i32
    %dma_start3A_189 = tpu.memref_slice %arg6[%dma_start3A_186, %dma_start3A_187, %dma_start3A_188] : memref<5x128x128xf32, #tpu.memory_space<vmem>> -> memref<1x128x128xf32, #tpu.memory_space<vmem>>
    %dma_start3A_190 = arith.constant 0 : i32
    %dma_start3A_191 = arith.constant 0 : i32
    %dma_start3A_192 = tpu.memref_slice %arg4[%add3A_184, %dma_start3A_190, %dma_start3A_191] : memref<6400x128x128xf32, #tpu.memory_space<hbm>> -> memref<1x128x128xf32, #tpu.memory_space<hbm>>
    %dma_start3A_193 = tpu.memref_slice %arg8[%dma_start3A_185] : memref<5x!tpu.dma_semaphore, #tpu.memory_space<semaphore_mem>> -> memref<1x!tpu.dma_semaphore, #tpu.memory_space<semaphore_mem>>
    %dma_start3A_194 = tpu.memref_squeeze %dma_start3A_193 : memref<1x!tpu.dma_semaphore, #tpu.memory_space<semaphore_mem>> -> memref<!tpu.dma_semaphore, #tpu.memory_space<semaphore_mem>>
    %dma_start3A_195 = arith.constant 0 : i32
    %dma_start3A_196 = arith.constant 0 : i32
    %dma_start3A_197 = tpu.memref_slice %arg4[%add3A_184, %dma_start3A_195, %dma_start3A_196] : memref<6400x128x128xf32, #tpu.memory_space<hbm>> -> memref<1x128x128xf32, #tpu.memory_space<hbm>>
    %dma_start3A_198 = arith.constant 2 : i32
    %dma_start3A_199 = arith.constant 0 : i32
    %dma_start3A_200 = arith.constant 0 : i32
    %dma_start3A_201 = tpu.memref_slice %arg6[%dma_start3A_198, %dma_start3A_199, %dma_start3A_200] : memref<5x128x128xf32, #tpu.memory_space<vmem>> -> memref<1x128x128xf32, #tpu.memory_space<vmem>>
    tpu.enqueue_dma source(%dma_start3A_201 : memref<1x128x128xf32, #tpu.memory_space<vmem>>) target(%dma_start3A_197 : memref<1x128x128xf32, #tpu.memory_space<hbm>>) target_semaphore(%dma_start3A_194 : memref<!tpu.dma_semaphore, #tpu.memory_space<semaphore_mem>>)
    %dma_wait3A_202 = arith.constant 3 : i32
    %dma_wait3A_203 = arith.constant 3 : i32
    %dma_wait3A_204 = arith.constant 0 : i32
    %dma_wait3A_205 = arith.constant 0 : i32
    %dma_wait3A_206 = tpu.memref_slice %arg6[%dma_wait3A_202, %dma_wait3A_204, %dma_wait3A_205] : memref<5x128x128xf32, #tpu.memory_space<vmem>> -> memref<1x128x128xf32, #tpu.memory_space<vmem>>
    %dma_wait3A_207 = tpu.memref_squeeze %dma_wait3A_206 : memref<1x128x128xf32, #tpu.memory_space<vmem>> -> memref<128x128xf32, #tpu.memory_space<vmem>>
    %dma_wait3A_208 = arith.constant 0 : i32
    %dma_wait3A_209 = arith.constant 0 : i32
    %dma_wait3A_210 = tpu.memref_slice %arg3[%dma_wait3A_208, %dma_wait3A_209] : memref<1000000x128xf32, #tpu.memory_space<hbm>> -> memref<128x128xf32, #tpu.memory_space<hbm>>
    %dma_wait3A_211 = tpu.memref_slice %arg7[%dma_wait3A_203] : memref<5x!tpu.dma_semaphore, #tpu.memory_space<semaphore_mem>> -> memref<1x!tpu.dma_semaphore, #tpu.memory_space<semaphore_mem>>
    %dma_wait3A_212 = tpu.memref_squeeze %dma_wait3A_211 : memref<1x!tpu.dma_semaphore, #tpu.memory_space<semaphore_mem>> -> memref<!tpu.dma_semaphore, #tpu.memory_space<semaphore_mem>>
    %dma_wait3A_213 = arith.constant 0 : i32
    %dma_wait3A_214 = arith.constant 0 : i32
    %dma_wait3A_215 = tpu.memref_slice %arg6[%dma_wait3A_202, %dma_wait3A_213, %dma_wait3A_214] : memref<5x128x128xf32, #tpu.memory_space<vmem>> -> memref<1x128x128xf32, #tpu.memory_space<vmem>>
    %dma_wait3A_216 = tpu.memref_squeeze %dma_wait3A_215 : memref<1x128x128xf32, #tpu.memory_space<vmem>> -> memref<128x128xf32, #tpu.memory_space<vmem>>
    %dma_wait3A_217 = arith.constant 0 : i32
    %dma_wait3A_218 = arith.constant 0 : i32
    %dma_wait3A_219 = tpu.memref_slice %arg3[%dma_wait3A_217, %dma_wait3A_218] : memref<1000000x128xf32, #tpu.memory_space<hbm>> -> memref<128x128xf32, #tpu.memory_space<hbm>>
    tpu.wait_dma2 semaphore(%dma_wait3A_212 : memref<!tpu.dma_semaphore, #tpu.memory_space<semaphore_mem>>) src(%dma_wait3A_219 : memref<128x128xf32, #tpu.memory_space<hbm>>) dst(%dma_wait3A_216 : memref<128x128xf32, #tpu.memory_space<vmem>>)
    %add3A_220 = arith.constant 198 : i32
    %add3A_221 = arith.addi %mul3A_2, %add3A_220 : i32
    %dma_start3A_222 = arith.constant 3 : i32
    %dma_start3A_223 = arith.constant 3 : i32
    %dma_start3A_224 = arith.constant 0 : i32
    %dma_start3A_225 = arith.constant 0 : i32
    %dma_start3A_226 = tpu.memref_slice %arg6[%dma_start3A_223, %dma_start3A_224, %dma_start3A_225] : memref<5x128x128xf32, #tpu.memory_space<vmem>> -> memref<1x128x128xf32, #tpu.memory_space<vmem>>
    %dma_start3A_227 = arith.constant 0 : i32
    %dma_start3A_228 = arith.constant 0 : i32
    %dma_start3A_229 = tpu.memref_slice %arg4[%add3A_221, %dma_start3A_227, %dma_start3A_228] : memref<6400x128x128xf32, #tpu.memory_space<hbm>> -> memref<1x128x128xf32, #tpu.memory_space<hbm>>
    %dma_start3A_230 = tpu.memref_slice %arg8[%dma_start3A_222] : memref<5x!tpu.dma_semaphore, #tpu.memory_space<semaphore_mem>> -> memref<1x!tpu.dma_semaphore, #tpu.memory_space<semaphore_mem>>
    %dma_start3A_231 = tpu.memref_squeeze %dma_start3A_230 : memref<1x!tpu.dma_semaphore, #tpu.memory_space<semaphore_mem>> -> memref<!tpu.dma_semaphore, #tpu.memory_space<semaphore_mem>>
    %dma_start3A_232 = arith.constant 0 : i32
    %dma_start3A_233 = arith.constant 0 : i32
    %dma_start3A_234 = tpu.memref_slice %arg4[%add3A_221, %dma_start3A_232, %dma_start3A_233] : memref<6400x128x128xf32, #tpu.memory_space<hbm>> -> memref<1x128x128xf32, #tpu.memory_space<hbm>>
    %dma_start3A_235 = arith.constant 3 : i32
    %dma_start3A_236 = arith.constant 0 : i32
    %dma_start3A_237 = arith.constant 0 : i32
    %dma_start3A_238 = tpu.memref_slice %arg6[%dma_start3A_235, %dma_start3A_236, %dma_start3A_237] : memref<5x128x128xf32, #tpu.memory_space<vmem>> -> memref<1x128x128xf32, #tpu.memory_space<vmem>>
    tpu.enqueue_dma source(%dma_start3A_238 : memref<1x128x128xf32, #tpu.memory_space<vmem>>) target(%dma_start3A_234 : memref<1x128x128xf32, #tpu.memory_space<hbm>>) target_semaphore(%dma_start3A_231 : memref<!tpu.dma_semaphore, #tpu.memory_space<semaphore_mem>>)
    %dma_wait3A_239 = arith.constant 4 : i32
    %dma_wait3A_240 = arith.constant 4 : i32
    %dma_wait3A_241 = arith.constant 0 : i32
    %dma_wait3A_242 = arith.constant 0 : i32
    %dma_wait3A_243 = tpu.memref_slice %arg6[%dma_wait3A_239, %dma_wait3A_241, %dma_wait3A_242] : memref<5x128x128xf32, #tpu.memory_space<vmem>> -> memref<1x128x128xf32, #tpu.memory_space<vmem>>
    %dma_wait3A_244 = tpu.memref_squeeze %dma_wait3A_243 : memref<1x128x128xf32, #tpu.memory_space<vmem>> -> memref<128x128xf32, #tpu.memory_space<vmem>>
    %dma_wait3A_245 = arith.constant 0 : i32
    %dma_wait3A_246 = arith.constant 0 : i32
    %dma_wait3A_247 = tpu.memref_slice %arg3[%dma_wait3A_245, %dma_wait3A_246] : memref<1000000x128xf32, #tpu.memory_space<hbm>> -> memref<128x128xf32, #tpu.memory_space<hbm>>
    %dma_wait3A_248 = tpu.memref_slice %arg7[%dma_wait3A_240] : memref<5x!tpu.dma_semaphore, #tpu.memory_space<semaphore_mem>> -> memref<1x!tpu.dma_semaphore, #tpu.memory_space<semaphore_mem>>
    %dma_wait3A_249 = tpu.memref_squeeze %dma_wait3A_248 : memref<1x!tpu.dma_semaphore, #tpu.memory_space<semaphore_mem>> -> memref<!tpu.dma_semaphore, #tpu.memory_space<semaphore_mem>>
    %dma_wait3A_250 = arith.constant 0 : i32
    %dma_wait3A_251 = arith.constant 0 : i32
    %dma_wait3A_252 = tpu.memref_slice %arg6[%dma_wait3A_239, %dma_wait3A_250, %dma_wait3A_251] : memref<5x128x128xf32, #tpu.memory_space<vmem>> -> memref<1x128x128xf32, #tpu.memory_space<vmem>>
    %dma_wait3A_253 = tpu.memref_squeeze %dma_wait3A_252 : memref<1x128x128xf32, #tpu.memory_space<vmem>> -> memref<128x128xf32, #tpu.memory_space<vmem>>
    %dma_wait3A_254 = arith.constant 0 : i32
    %dma_wait3A_255 = arith.constant 0 : i32
    %dma_wait3A_256 = tpu.memref_slice %arg3[%dma_wait3A_254, %dma_wait3A_255] : memref<1000000x128xf32, #tpu.memory_space<hbm>> -> memref<128x128xf32, #tpu.memory_space<hbm>>
    tpu.wait_dma2 semaphore(%dma_wait3A_249 : memref<!tpu.dma_semaphore, #tpu.memory_space<semaphore_mem>>) src(%dma_wait3A_256 : memref<128x128xf32, #tpu.memory_space<hbm>>) dst(%dma_wait3A_253 : memref<128x128xf32, #tpu.memory_space<vmem>>)
    %add3A_257 = arith.constant 199 : i32
    %add3A_258 = arith.addi %mul3A_2, %add3A_257 : i32
    %dma_start3A_259 = arith.constant 4 : i32
    %dma_start3A_260 = arith.constant 4 : i32
    %dma_start3A_261 = arith.constant 0 : i32
    %dma_start3A_262 = arith.constant 0 : i32
    %dma_start3A_263 = tpu.memref_slice %arg6[%dma_start3A_260, %dma_start3A_261, %dma_start3A_262] : memref<5x128x128xf32, #tpu.memory_space<vmem>> -> memref<1x128x128xf32, #tpu.memory_space<vmem>>
    %dma_start3A_264 = arith.constant 0 : i32
    %dma_start3A_265 = arith.constant 0 : i32
    %dma_start3A_266 = tpu.memref_slice %arg4[%add3A_258, %dma_start3A_264, %dma_start3A_265] : memref<6400x128x128xf32, #tpu.memory_space<hbm>> -> memref<1x128x128xf32, #tpu.memory_space<hbm>>
    %dma_start3A_267 = tpu.memref_slice %arg8[%dma_start3A_259] : memref<5x!tpu.dma_semaphore, #tpu.memory_space<semaphore_mem>> -> memref<1x!tpu.dma_semaphore, #tpu.memory_space<semaphore_mem>>
    %dma_start3A_268 = tpu.memref_squeeze %dma_start3A_267 : memref<1x!tpu.dma_semaphore, #tpu.memory_space<semaphore_mem>> -> memref<!tpu.dma_semaphore, #tpu.memory_space<semaphore_mem>>
    %dma_start3A_269 = arith.constant 0 : i32
    %dma_start3A_270 = arith.constant 0 : i32
    %dma_start3A_271 = tpu.memref_slice %arg4[%add3A_258, %dma_start3A_269, %dma_start3A_270] : memref<6400x128x128xf32, #tpu.memory_space<hbm>> -> memref<1x128x128xf32, #tpu.memory_space<hbm>>
    %dma_start3A_272 = arith.constant 4 : i32
    %dma_start3A_273 = arith.constant 0 : i32
    %dma_start3A_274 = arith.constant 0 : i32
    %dma_start3A_275 = tpu.memref_slice %arg6[%dma_start3A_272, %dma_start3A_273, %dma_start3A_274] : memref<5x128x128xf32, #tpu.memory_space<vmem>> -> memref<1x128x128xf32, #tpu.memory_space<vmem>>
    tpu.enqueue_dma source(%dma_start3A_275 : memref<1x128x128xf32, #tpu.memory_space<vmem>>) target(%dma_start3A_271 : memref<1x128x128xf32, #tpu.memory_space<hbm>>) target_semaphore(%dma_start3A_268 : memref<!tpu.dma_semaphore, #tpu.memory_space<semaphore_mem>>)
    %dma_wait3A_276 = arith.constant 0 : i32
    %dma_wait3A_277 = arith.constant 0 : i32
    %dma_wait3A_278 = arith.constant 0 : i32
    %dma_wait3A_279 = arith.constant 0 : i32
    %dma_wait3A_280 = tpu.memref_slice %arg6[%dma_wait3A_277, %dma_wait3A_278, %dma_wait3A_279] : memref<5x128x128xf32, #tpu.memory_space<vmem>> -> memref<1x128x128xf32, #tpu.memory_space<vmem>>
    %dma_wait3A_281 = arith.constant 0 : i32
    %dma_wait3A_282 = arith.constant 0 : i32
    %dma_wait3A_283 = arith.constant 0 : i32
    %dma_wait3A_284 = tpu.memref_slice %arg4[%dma_wait3A_281, %dma_wait3A_282, %dma_wait3A_283] : memref<6400x128x128xf32, #tpu.memory_space<hbm>> -> memref<1x128x128xf32, #tpu.memory_space<hbm>>
    %dma_wait3A_285 = tpu.memref_slice %arg8[%dma_wait3A_276] : memref<5x!tpu.dma_semaphore, #tpu.memory_space<semaphore_mem>> -> memref<1x!tpu.dma_semaphore, #tpu.memory_space<semaphore_mem>>
    %dma_wait3A_286 = tpu.memref_squeeze %dma_wait3A_285 : memref<1x!tpu.dma_semaphore, #tpu.memory_space<semaphore_mem>> -> memref<!tpu.dma_semaphore, #tpu.memory_space<semaphore_mem>>
    %dma_wait3A_287 = arith.constant 0 : i32
    %dma_wait3A_288 = arith.constant 0 : i32
    %dma_wait3A_289 = arith.constant 0 : i32
    %dma_wait3A_290 = tpu.memref_slice %arg4[%dma_wait3A_287, %dma_wait3A_288, %dma_wait3A_289] : memref<6400x128x128xf32, #tpu.memory_space<hbm>> -> memref<1x128x128xf32, #tpu.memory_space<hbm>>
    %dma_wait3A_291 = arith.constant 0 : i32
    %dma_wait3A_292 = arith.constant 0 : i32
    %dma_wait3A_293 = arith.constant 0 : i32
    %dma_wait3A_294 = tpu.memref_slice %arg6[%dma_wait3A_291, %dma_wait3A_292, %dma_wait3A_293] : memref<5x128x128xf32, #tpu.memory_space<vmem>> -> memref<1x128x128xf32, #tpu.memory_space<vmem>>
    tpu.wait_dma2 semaphore(%dma_wait3A_286 : memref<!tpu.dma_semaphore, #tpu.memory_space<semaphore_mem>>) src(%dma_wait3A_294 : memref<1x128x128xf32, #tpu.memory_space<vmem>>) dst(%dma_wait3A_290 : memref<1x128x128xf32, #tpu.memory_space<hbm>>)
    %dma_wait3A_295 = arith.constant 1 : i32
    %dma_wait3A_296 = arith.constant 1 : i32
    %dma_wait3A_297 = arith.constant 0 : i32
    %dma_wait3A_298 = arith.constant 0 : i32
    %dma_wait3A_299 = tpu.memref_slice %arg6[%dma_wait3A_296, %dma_wait3A_297, %dma_wait3A_298] : memref<5x128x128xf32, #tpu.memory_space<vmem>> -> memref<1x128x128xf32, #tpu.memory_space<vmem>>
    %dma_wait3A_300 = arith.constant 0 : i32
    %dma_wait3A_301 = arith.constant 0 : i32
    %dma_wait3A_302 = arith.constant 0 : i32
    %dma_wait3A_303 = tpu.memref_slice %arg4[%dma_wait3A_300, %dma_wait3A_301, %dma_wait3A_302] : memref<6400x128x128xf32, #tpu.memory_space<hbm>> -> memref<1x128x128xf32, #tpu.memory_space<hbm>>
    %dma_wait3A_304 = tpu.memref_slice %arg8[%dma_wait3A_295] : memref<5x!tpu.dma_semaphore, #tpu.memory_space<semaphore_mem>> -> memref<1x!tpu.dma_semaphore, #tpu.memory_space<semaphore_mem>>
    %dma_wait3A_305 = tpu.memref_squeeze %dma_wait3A_304 : memref<1x!tpu.dma_semaphore, #tpu.memory_space<semaphore_mem>> -> memref<!tpu.dma_semaphore, #tpu.memory_space<semaphore_mem>>
    %dma_wait3A_306 = arith.constant 0 : i32
    %dma_wait3A_307 = arith.constant 0 : i32
    %dma_wait3A_308 = arith.constant 0 : i32
    %dma_wait3A_309 = tpu.memref_slice %arg4[%dma_wait3A_306, %dma_wait3A_307, %dma_wait3A_308] : memref<6400x128x128xf32, #tpu.memory_space<hbm>> -> memref<1x128x128xf32, #tpu.memory_space<hbm>>
    %dma_wait3A_310 = arith.constant 1 : i32
    %dma_wait3A_311 = arith.constant 0 : i32
    %dma_wait3A_312 = arith.constant 0 : i32
    %dma_wait3A_313 = tpu.memref_slice %arg6[%dma_wait3A_310, %dma_wait3A_311, %dma_wait3A_312] : memref<5x128x128xf32, #tpu.memory_space<vmem>> -> memref<1x128x128xf32, #tpu.memory_space<vmem>>
    tpu.wait_dma2 semaphore(%dma_wait3A_305 : memref<!tpu.dma_semaphore, #tpu.memory_space<semaphore_mem>>) src(%dma_wait3A_313 : memref<1x128x128xf32, #tpu.memory_space<vmem>>) dst(%dma_wait3A_309 : memref<1x128x128xf32, #tpu.memory_space<hbm>>)
    %dma_wait3A_314 = arith.constant 2 : i32
    %dma_wait3A_315 = arith.constant 2 : i32
    %dma_wait3A_316 = arith.constant 0 : i32
    %dma_wait3A_317 = arith.constant 0 : i32
    %dma_wait3A_318 = tpu.memref_slice %arg6[%dma_wait3A_315, %dma_wait3A_316, %dma_wait3A_317] : memref<5x128x128xf32, #tpu.memory_space<vmem>> -> memref<1x128x128xf32, #tpu.memory_space<vmem>>
    %dma_wait3A_319 = arith.constant 0 : i32
    %dma_wait3A_320 = arith.constant 0 : i32
    %dma_wait3A_321 = arith.constant 0 : i32
    %dma_wait3A_322 = tpu.memref_slice %arg4[%dma_wait3A_319, %dma_wait3A_320, %dma_wait3A_321] : memref<6400x128x128xf32, #tpu.memory_space<hbm>> -> memref<1x128x128xf32, #tpu.memory_space<hbm>>
    %dma_wait3A_323 = tpu.memref_slice %arg8[%dma_wait3A_314] : memref<5x!tpu.dma_semaphore, #tpu.memory_space<semaphore_mem>> -> memref<1x!tpu.dma_semaphore, #tpu.memory_space<semaphore_mem>>
    %dma_wait3A_324 = tpu.memref_squeeze %dma_wait3A_323 : memref<1x!tpu.dma_semaphore, #tpu.memory_space<semaphore_mem>> -> memref<!tpu.dma_semaphore, #tpu.memory_space<semaphore_mem>>
    %dma_wait3A_325 = arith.constant 0 : i32
    %dma_wait3A_326 = arith.constant 0 : i32
    %dma_wait3A_327 = arith.constant 0 : i32
    %dma_wait3A_328 = tpu.memref_slice %arg4[%dma_wait3A_325, %dma_wait3A_326, %dma_wait3A_327] : memref<6400x128x128xf32, #tpu.memory_space<hbm>> -> memref<1x128x128xf32, #tpu.memory_space<hbm>>
    %dma_wait3A_329 = arith.constant 2 : i32
    %dma_wait3A_330 = arith.constant 0 : i32
    %dma_wait3A_331 = arith.constant 0 : i32
    %dma_wait3A_332 = tpu.memref_slice %arg6[%dma_wait3A_329, %dma_wait3A_330, %dma_wait3A_331] : memref<5x128x128xf32, #tpu.memory_space<vmem>> -> memref<1x128x128xf32, #tpu.memory_space<vmem>>
    tpu.wait_dma2 semaphore(%dma_wait3A_324 : memref<!tpu.dma_semaphore, #tpu.memory_space<semaphore_mem>>) src(%dma_wait3A_332 : memref<1x128x128xf32, #tpu.memory_space<vmem>>) dst(%dma_wait3A_328 : memref<1x128x128xf32, #tpu.memory_space<hbm>>)
    %dma_wait3A_333 = arith.constant 3 : i32
    %dma_wait3A_334 = arith.constant 3 : i32
    %dma_wait3A_335 = arith.constant 0 : i32
    %dma_wait3A_336 = arith.constant 0 : i32
    %dma_wait3A_337 = tpu.memref_slice %arg6[%dma_wait3A_334, %dma_wait3A_335, %dma_wait3A_336] : memref<5x128x128xf32, #tpu.memory_space<vmem>> -> memref<1x128x128xf32, #tpu.memory_space<vmem>>
    %dma_wait3A_338 = arith.constant 0 : i32
    %dma_wait3A_339 = arith.constant 0 : i32
    %dma_wait3A_340 = arith.constant 0 : i32
    %dma_wait3A_341 = tpu.memref_slice %arg4[%dma_wait3A_338, %dma_wait3A_339, %dma_wait3A_340] : memref<6400x128x128xf32, #tpu.memory_space<hbm>> -> memref<1x128x128xf32, #tpu.memory_space<hbm>>
    %dma_wait3A_342 = tpu.memref_slice %arg8[%dma_wait3A_333] : memref<5x!tpu.dma_semaphore, #tpu.memory_space<semaphore_mem>> -> memref<1x!tpu.dma_semaphore, #tpu.memory_space<semaphore_mem>>
    %dma_wait3A_343 = tpu.memref_squeeze %dma_wait3A_342 : memref<1x!tpu.dma_semaphore, #tpu.memory_space<semaphore_mem>> -> memref<!tpu.dma_semaphore, #tpu.memory_space<semaphore_mem>>
    %dma_wait3A_344 = arith.constant 0 : i32
    %dma_wait3A_345 = arith.constant 0 : i32
    %dma_wait3A_346 = arith.constant 0 : i32
    %dma_wait3A_347 = tpu.memref_slice %arg4[%dma_wait3A_344, %dma_wait3A_345, %dma_wait3A_346] : memref<6400x128x128xf32, #tpu.memory_space<hbm>> -> memref<1x128x128xf32, #tpu.memory_space<hbm>>
    %dma_wait3A_348 = arith.constant 3 : i32
    %dma_wait3A_349 = arith.constant 0 : i32
    %dma_wait3A_350 = arith.constant 0 : i32
    %dma_wait3A_351 = tpu.memref_slice %arg6[%dma_wait3A_348, %dma_wait3A_349, %dma_wait3A_350] : memref<5x128x128xf32, #tpu.memory_space<vmem>> -> memref<1x128x128xf32, #tpu.memory_space<vmem>>
    tpu.wait_dma2 semaphore(%dma_wait3A_343 : memref<!tpu.dma_semaphore, #tpu.memory_space<semaphore_mem>>) src(%dma_wait3A_351 : memref<1x128x128xf32, #tpu.memory_space<vmem>>) dst(%dma_wait3A_347 : memref<1x128x128xf32, #tpu.memory_space<hbm>>)
    %dma_wait3A_352 = arith.constant 4 : i32
    %dma_wait3A_353 = arith.constant 4 : i32
    %dma_wait3A_354 = arith.constant 0 : i32
    %dma_wait3A_355 = arith.constant 0 : i32
    %dma_wait3A_356 = tpu.memref_slice %arg6[%dma_wait3A_353, %dma_wait3A_354, %dma_wait3A_355] : memref<5x128x128xf32, #tpu.memory_space<vmem>> -> memref<1x128x128xf32, #tpu.memory_space<vmem>>
    %dma_wait3A_357 = arith.constant 0 : i32
    %dma_wait3A_358 = arith.constant 0 : i32
    %dma_wait3A_359 = arith.constant 0 : i32
    %dma_wait3A_360 = tpu.memref_slice %arg4[%dma_wait3A_357, %dma_wait3A_358, %dma_wait3A_359] : memref<6400x128x128xf32, #tpu.memory_space<hbm>> -> memref<1x128x128xf32, #tpu.memory_space<hbm>>
    %dma_wait3A_361 = tpu.memref_slice %arg8[%dma_wait3A_352] : memref<5x!tpu.dma_semaphore, #tpu.memory_space<semaphore_mem>> -> memref<1x!tpu.dma_semaphore, #tpu.memory_space<semaphore_mem>>
    %dma_wait3A_362 = tpu.memref_squeeze %dma_wait3A_361 : memref<1x!tpu.dma_semaphore, #tpu.memory_space<semaphore_mem>> -> memref<!tpu.dma_semaphore, #tpu.memory_space<semaphore_mem>>
    %dma_wait3A_363 = arith.constant 0 : i32
    %dma_wait3A_364 = arith.constant 0 : i32
    %dma_wait3A_365 = arith.constant 0 : i32
    %dma_wait3A_366 = tpu.memref_slice %arg4[%dma_wait3A_363, %dma_wait3A_364, %dma_wait3A_365] : memref<6400x128x128xf32, #tpu.memory_space<hbm>> -> memref<1x128x128xf32, #tpu.memory_space<hbm>>
    %dma_wait3A_367 = arith.constant 4 : i32
    %dma_wait3A_368 = arith.constant 0 : i32
    %dma_wait3A_369 = arith.constant 0 : i32
    %dma_wait3A_370 = tpu.memref_slice %arg6[%dma_wait3A_367, %dma_wait3A_368, %dma_wait3A_369] : memref<5x128x128xf32, #tpu.memory_space<vmem>> -> memref<1x128x128xf32, #tpu.memory_space<vmem>>
    tpu.wait_dma2 semaphore(%dma_wait3A_362 : memref<!tpu.dma_semaphore, #tpu.memory_space<semaphore_mem>>) src(%dma_wait3A_370 : memref<1x128x128xf32, #tpu.memory_space<vmem>>) dst(%dma_wait3A_366 : memref<1x128x128xf32, #tpu.memory_space<hbm>>)
    return
  }
}

</mosaic_0001>

<sc_bundles>
// kernel: kernel.3.cloned.1.call-start
scs
__scs_entry_jumppad:
0x0: {  	(pc) =	sbr.rel $0x88, $3  }
0x1: {  	(tag) =	ssettag $0x0;
	lr =	simm.s32 $0x1  }
0x2: {  	[smem:$0x3F9F] =	sst lr;
	_ =	strace $0xD0000000  }
0x3: {  	_ = 	snop  }
0x4: {  	_ = 	snop  }
0x5: {  	_ = 	snop  }
0x6: {  	_ = 	snop  }
0x7: {  	_ = 	snop  }
__scs_overlays_trampoline_lowered:
0x8: {  	[smem:$0x3FAE] =	sst s0  }
0x9: {  	[smem:$0x3FAF] =	sst s1  }
0xa: {  	[smem:$0x3FB0] =	sst s2  }
0xb: {  	[smem:$0x3FB1] =	sst s3  }
0xc: {  	[smem:$0x3FB2] =	sst s4  }
0xd: {  	[smem:$0x3FB3] =	sst s5  }
0xe: {  	[smem:$0x3FB4] =	sst s6  }
0xf: {  	[smem:$0x3FB5] =	sst s7  }
0x10: {  	[smem:$0x3FB6] =	sst s8  }
0x11: {  	[smem:$0x3FB7] =	sst s9;
	s0 =	simm.s32 @!p0 $0x0  }
0x12: {  	s1 =	sld [smem:$0x3F9D];
	s0 =	simm.s32 @p0 $0x1  }
0x13: {  	[smem:$0x3FB8] =	sst s0;
	s0 =	simm.s32 @!p1 $0x0  }
0x14: {  	s2 =	sld [smem:$0x3F9C];
	s0 =	simm.s32 @p1 $0x1  }
0x15: {  	[smem:$0x3FB9] =	sst s0;
	s0 =	simm.s32 @!p2 $0x0  }
0x16: {  	s3 =	sld [smem:$0x3FDB];
	s0 =	simm.s32 @p2 $0x1  }
0x17: {  	s4 =	simm.s32 $0x1BF5;
	[smem:$0x3FBB] =	sst s0  }
0x18: {  	s0 =	sld [smem:$0x3F9E];
	_ =	swait.ge [sflag:s4], $0x0  }
0x19: {  	s7 =	sld [smem:$0x3F9F]  }
0x1a: {  	s8 =	sadd.s32 $0xFFFFE003, lr  }
0x1b: {  	s9 =	sadd.s32 $0xFFFFFEF7, lr;
	s5 =	simm.s32 $0xFFFFFFFF;
	p2 =	slt.u32 s8, $0xFFFFF086  }
0x1c: {  	p1 =	slt.u32 s9, $0xF7A;
	s5 =	simm.s32 @!p2 $0x0  }
0x1d: {  	s5 =	simm.s32 @p1 $0x1;
	p0 =	seq.s32 s7, s2  }
0x1e: {  	s7 =	smul.u32 @!p0 $0xF7A, s2;
	p2 =	seq.s32 @!p0 s5, $0x0  }
0x1f: {  	s9 =	smul.u32 $0xF7A, s1;
	s8 =	simm.s32 @!p0 $0x1BF5;
	p2 =	por !p2, p0  }
0x20: {  	[sflag:s8] =	ssyncset.s32 @!p0 $0xFFFFF086;
	s6 =	sadd.s32 @!p0 s3, s7;
	s7 =	simm.s32 @!p0 $0x108  }
0x21: {  	s3 =	sadd.s32 s3, s9;
	s6 =	sadd.s32 @!p0 $0x88, s6;
	s7 =	simm.s32 @p2 $0x1082  }
0x22: {  	[simem:s7], [sflag:s8] =	dma.local @!p0 [hbm:s6], $0xF7A  }
0x23: {  	s9 =	sor.u32 $0xD0000000, s2;
	s6 =	simm.s32 $0x108;
	_ =	swait.ge @!p0 [sflag:s8], $0x0  }
0x24: {  	s3 =	sadd.s32 $0x88, s3;
	s6 =	simm.s32 @!p1 $0x1082;
	[sflag:s4] =	ssyncset.s32 $0xFFFFF086  }
0x25: {  	[simem:s6], [sflag:s4] =	dma.local [hbm:s3], $0xF7A  }
0x26: {  	[smem:$0x3F9F] =	sst s1;
	(tag) =	ssettag s2;
	_ =	strace s9  }
0x27: {  	s1 =	sld [smem:$0x3FAF]  }
0x28: {  	s2 =	sld [smem:$0x3FB0]  }
0x29: {  	s4 =	sld [smem:$0x3FB2]  }
0x2a: {  	p0 =	seq.s32 s5, $0x0;
	s5 =	sld [smem:$0x3FB3]  }
0x2b: {  	s6 =	sld [smem:$0x3FB4]  }
0x2c: {  	s7 =	sld [smem:$0x3FB5]  }
0x2d: {  	s3 =	simm.s32 $0x108;
	s8 =	sld [smem:$0x3FB6]  }
0x2e: {  	s3 =	simm.s32 @!p0 $0x1082;
	s9 =	sld [smem:$0x3FB7]  }
0x2f: {  	lr =	sadd.s32 s0, s3;
	s0 =	sld [smem:$0x3FAE]  }
0x30: {  	s3 =	sld [smem:$0x3FB1]  }
0x31: {  	[smem:$0x3FBA] =	sst s10  }
0x32: {  	s10 =	sld [smem:$0x3FB8];
	_ =	sdelay $0x3  }
0x33: {  	p0 =	seq.s32 s10, $0x1;
	s10 =	sld [smem:$0x3FBA];
	_ =	sdelay $0x3  }
0x34: {  	[smem:$0x3FBA] =	sst s10  }
0x35: {  	s10 =	sld [smem:$0x3FB9];
	_ =	sdelay $0x3  }
0x36: {  	p1 =	seq.s32 s10, $0x1;
	s10 =	sld [smem:$0x3FBA];
	_ =	sdelay $0x3  }
0x37: {  	[smem:$0x3FBA] =	sst s10  }
0x38: {  	s10 =	sld [smem:$0x3FBB]  }
0x39: {  	_ = 	snop;
	(pc) =	sbr.ind lr, $3  }
0x3a: {  	_ = 	snop  }
0x3b: {  	_ = 	snop  }
0x3c: {  	p2 =	seq.s32 s10, $0x1;
	s10 =	sld [smem:$0x3FBA]  }
0x3d: {  	_ =	shalt  }
0x3e: {  	_ =	shalt  }
0x3f: {  	_ =	shalt  }
0x40: {  	_ =	shalt  }
0x41: {  	_ =	shalt  }
0x42: {  	_ =	shalt  }
0x43: {  	_ =	shalt  }
0x44: {  	_ =	shalt  }
0x45: {  	_ =	shalt  }
0x46: {  	_ =	shalt  }
0x47: {  	_ =	shalt  }
0x48: {  	_ =	shalt  }
0x49: {  	_ =	shalt  }
0x4a: {  	_ =	shalt  }
0x4b: {  	_ =	shalt  }
0x4c: {  	_ =	shalt  }
0x4d: {  	_ =	shalt  }
0x4e: {  	_ =	shalt  }
0x4f: {  	_ =	shalt  }
0x50: {  	_ =	shalt  }
0x51: {  	_ =	shalt  }
0x52: {  	_ =	shalt  }
0x53: {  	_ =	shalt  }
0x54: {  	_ =	shalt  }
0x55: {  	_ =	shalt  }
0x56: {  	_ =	shalt  }
0x57: {  	_ =	shalt  }
0x58: {  	_ =	shalt  }
0x59: {  	_ =	shalt  }
0x5a: {  	_ =	shalt  }
0x5b: {  	_ =	shalt  }
0x5c: {  	_ =	shalt  }
0x5d: {  	_ =	shalt  }
0x5e: {  	_ =	shalt  }
0x5f: {  	_ =	shalt  }
0x60: {  	_ =	shalt  }
0x61: {  	_ =	shalt  }
0x62: {  	_ =	shalt  }
0x63: {  	_ =	shalt  }
0x64: {  	_ =	shalt  }
0x65: {  	_ =	shalt  }
0x66: {  	_ =	shalt  }
0x67: {  	_ =	shalt  }
0x68: {  	_ =	shalt  }
0x69: {  	_ =	shalt  }
0x6a: {  	_ =	shalt  }
0x6b: {  	_ =	shalt  }
0x6c: {  	_ =	shalt  }
0x6d: {  	_ =	shalt  }
0x6e: {  	_ =	shalt  }
0x6f: {  	_ =	shalt  }
0x70: {  	_ =	shalt  }
0x71: {  	_ =	shalt  }
0x72: {  	_ =	shalt  }
0x73: {  	_ =	shalt  }
0x74: {  	_ =	shalt  }
0x75: {  	_ =	shalt  }
0x76: {  	_ =	shalt  }
0x77: {  	_ =	shalt  }
0x78: {  	_ =	shalt  }
0x79: {  	_ =	shalt  }
0x7a: {  	_ =	shalt  }
0x7b: {  	_ =	shalt  }
0x7c: {  	_ =	shalt  }
0x7d: {  	_ =	shalt  }
0x7e: {  	_ =	shalt  }
0x7f: {  	_ =	shalt  }
0x80: {  	_ =	shalt  }
0x81: {  	_ =	shalt  }
0x82: {  	_ =	shalt  }
0x83: {  	_ =	shalt  }
0x84: {  	_ =	shalt  }
0x85: {  	_ =	shalt  }
0x86: {  	_ =	shalt  }
0x87: {  	_ =	shalt  }
.Lfunc_end0:
.L_simem_size_0:
called_computation.1_lowered:
.L_overlay_start_0:
0x88: {  	s2 =	sld [smem:$0x3FD9]  }
0x89: {  	s3 =	sld [smem:$0x3FFE];
	_ =	sdelay $0x1  }
0x8a: {  	s1 =	srdreg.scid  }
0x8b: {  	s0 =	sand.u32 $0x1, s1  }
0x8c: {  	s17 =	sshll.u32 s0, $0xA;
	s2 =	sadd.s32 s3, s2  }
0x8d: {  	s2 =	sadd.s32 s2, s17  }
0x8e: {  	[smem:$0x3FC6] =	sst s2  }
0x8f: {  	_ = 	snop  }
0x90: {  	s2 =	sld [smem:$0x3FD0];
	(tm) =	ssettm $0x1  }
0x91: {  	s18 =	sld [smem:$0x3FFB];
	_ =	sdelay $0x3  }
0x92: {  	_ =	strace s18  }
0x93: {  	s3 =	sld [smem:$0x3FFC];
	_ =	sdelay $0x3  }
0x94: {  	_ =	strace s3  }
0x95: {  	s3 =	sld [smem:$0x3FFD];
	_ =	sdelay $0x3  }
0x96: {  	_ =	strace s3  }
0x97: {  	_ =	strace $0x8FFFFFFF  }
0x98: {  	s19 =	sld [smem:$0x3FDB];
	_ =	sdelay $0x1  }
0x99: {  	s4 =	simm.s32 $_scs_section_size  }
0x9a: {  	s5 =	simm.s32 $_size__tile_overlayer_lowered;
	s6 =	simm.s32 $_tile_overlayer_lowered  }
0x9b: {  	s22 =	simm.s32 $0x1BFF;
	s21 =	sshll.u32 s6, $0x1;
	s3 =	sadd.s32 s4, s19  }
0x9c: {  	s7 =	simm.s32 $0x0;
	s20 =	sshll.u32 s5, $0x1;
	s5 =	sadd.s32 s21, s3  }
0x9d: {  	[timem:s7], [sflag:s22] =	dma.local [hbm:s5], s20  }
0x9e: {  	_ =	swait.ge [sflag:s22], s20  }
0x9f: {  	s4 =	ssub.s32 $0x0, s20;
	[sflag:s22] =	ssyncset.done $0x0  }
0xa0: {  	[sflag:s22] =	ssyncadd.s32 s4;
	_ =	sdelay $0x1  }
0xa1: {  	s23 =	simm.s32 $0x1B8B  }
0xa2: {  	_ =	swait.ge [sflag:s23], $0x1  }
0xa3: {  	[sflag:s23] =	ssyncset.done $0x0  }
0xa4: {  	s25 =	simm.s32 $0x1B8E;
	s24 =	sld [smem:$0x3FFE];
	[sflag:s23] =	ssyncadd.s32 $0xFFFFFFFF  }
0xa5: {  	s26 =	simm.s32 $execute0_lowered;
	[smem:$0x3FD2] =	sst s25  }
0xa6: {  	s5 =	sshll.u32 s26, $0x1;
	_ =	strace $0x80000046;
	[dreg:$0x1] =	wrdreg $0xFFFFFFFF  }
0xa7: {  	s28 =	simm.s32 $_size_execute0_lowered;
	s3 =	sadd.s32 s3, s5;
	[dreg:$0x0] =	wrdreg $0x0  }
0xa8: {  	s5 =	sshll.u32 s28, $0x1;
	[dreg:$0x2] =	wrdreg s3  }
0xa9: {  	[dreg:$0x3] =	wrdreg s5  }
0xaa: {  	[dreg:$0x4] =	wrdreg $0xC0  }
0xab: {  	_ =	task [dreg:s7], $0x5FFFF  }
0xac: {  	[dreg:$0x1] =	wrdreg $0xFFFFFFFF  }
0xad: {  	[dreg:$0x0] =	wrdreg $0x60  }
0xae: {  	[dreg:$0x2] =	wrdreg s2  }
0xaf: {  	[dreg:$0x3] =	wrdreg s24  }
0xb0: {  	[dreg:$0x4] =	wrdreg $0x9  }
0xb1: {  	_ =	task.clear_ibuf [dreg:s7], $0x5FFFF;
	_ =	strace $0x90000046  }
0xb2: {  	s29 =	simm.s32 $0x9;
	_ =	strace $0x80000048  }
0xb3: {  	_ =	swait.ge [sflag:s29], $0x1  }
0xb4: {  	[sflag:s29] =	ssyncadd.s32 $0xFFFFFFFF  }
0xb5: {  	_ =	strace $0x90000048  }
0xb6: {  	_ =	sfence  }
0xb7: {  	s30 =	sld [smem:$0x0];
	_ =	sdelay $0x2  }
0xb8: {  	s31 =	sshll.u32 s1, $0xD;
	s1 =	sshrl.u32 s1, $0x2  }
0xb9: {  	s3 =	sand.u32 $0x4000, s31;
	s1 =	sadd.s32 s1, s30  }
0xba: {  	s0 =	sor.u32 s3, s0;
	s1 =	sshll.u32 s1, $0x11  }
0xbb: {  	s0 =	sor.u32 s1, s0  }
0xbc: {  	s0 =	sadd.s32 $0x8F2B, s0  }
0xbd: {  	[sflag:s0] =	ssyncadd.remote.s32 $0x1  }
0xbe: {  	_ =	sfence.sel $0xFFFF  }
0xbf: {  	[dreg:$0x0] =	wrdreg $0xFFFFFFFF;
	(pc) =	sbr.abs _section_cstart, $3  }
0xc0: {  	[dreg:$0x1] =	wrdreg $0xFFFFFFFF  }
0xc1: {  	_ =	task.clear_ibuf [dreg:s7], $0x2FFFF;
	_ =	strace $0x9FFFFFFF  }
0xc2: {  	(tm) =	ssettm $0x7FFFFFFF  }
0xc3: {  	_ =	shalt  }
tec
execute0_lowered:
.L_overlay_start_1:
0x0: {  	(tag) =	ssettag $0x1  }
0x1: {  	s1 =	rddreg [dreg:$0x0];
	s11 =	stileid.u32  }
0x2: {  	s0 =	rddreg [dreg:$0x1];
	s3 =	simm.s32 $0x0;
	s13 =	smul.u32 $0x190, s11  }
0x3: {  	s2 =	srdreg.scid;
	s28 =	simm.s32 $0x1;
	s16 =	smul.u32 $0xC800, s11  }
0x4: {  	s29 =	simm.s32 $0x6;
	s30 =	simm.s32 $0x2;
	s19 =	smul.u32 $0x1900, s11  }
0x5: {  	s31 =	simm.s32 $0x7;
	s2 =	sand.u32 $0x1, s2;
	s22 =	smul.u32 $0xC8000, s11  }
0x6: {  	[smem:$0x7FF] =	sst s3;
	s4 =	sshll.u32 s11, $0x1;
	s15 =	smul.u32 $0xC8, s2  }
0x7: {  	s9 =	sadd.s32 $0xA00, s0;
	s11 =	simm.s32 $0x4400;
	s17 =	smul.u32 $0x6400, s2  }
0x8: {  	_ =	strace $0x80000047;
	s5 =	sor.u32 s2, s4;
	s21 =	smul.u32 $0xC80, s2  }
0x9: {  	s4 =	sadd.s32 $0xF42E00, s0;
	s12 =	ssub.s32 $0x2, s2;
	s2 =	smul.u32 $0x64000, s2  }
0xa: {  	[dreg:$0x7] =	wrdreg s9;
	s6 =	smul.u32 $0xC80, s5;
	s7 =	sshrl.u32 s12, $0x1  }
0xb: {  	s5 =	smul.u32 $0x320000, s5;
	s0 =	ssub.s32 s12, s7;
	s25 =	sadd.s32 s21, s19  }
0xc: {  	s2 =	sadd.s32 s2, s22;
	s7 =	simm.s32 $0x4;
	s10 =	sadd.s32 s1, s6  }
0xd: {  	s5 =	sshrl.u32 s5, $0x3;
	s6 =	sadd.s32 s15, s13;
	[dreg:$0x5] =	wrdreg s25  }
0xe: {  	s0 =	smax.u32 s0, $0x1;
	[dreg:$0x6] =	wrdreg s2;
	s13 =	simm.s32 $0xC400  }
0xf: {  	s25 =	simm.s32 $0x200;
	s2 =	simm.s32 $0x8;
	[dreg:$0x8] =	wrdreg s10  }
0x10: {  	s14 =	sadd.s32 $0x10, s10;
	s8 =	sadd.s32 $0x20, s10;
	[dreg:$0x12] =	wrdreg s0  }
0x11: {  	s12 =	sadd.s32 $0x30, s10;
	s5 =	sadd.s32 s9, s5;
	[dreg:$0x9] =	wrdreg s14  }
0x12: {  	s10 =	sadd.s32 $0x40, s10;
	s6 =	sshll.u32 s6, $0xB;
	[dreg:$0xa] =	wrdreg s8  }
0x13: {  	s0 =	simm.s32 $0x3;
	s9 =	simm.s32 $0x5;
	[dreg:$0xb] =	wrdreg s12  }
0x14: {  	[dreg:$0xc] =	wrdreg s10;
	s18 =	sadd.s32 $0x61800, s5;
	s20 =	sadd.s32 $0x62000, s5  }
0x15: {  	s8 =	sadd.s32 s17, s16;
	[dreg:$0x3] =	wrdreg s6;
	s24 =	sadd.s32 $0x62800, s5  }
0x16: {  	s26 =	sadd.s32 $0x63000, s5;
	s5 =	sadd.s32 $0x63800, s5;
	[dreg:$0xd] =	wrdreg s18  }
0x17: {  	s17 =	simm.s32 $0xB;
	s6 =	simm.s32 $0x400;
	[dreg:$0xe] =	wrdreg s20  }
0x18: {  	s12 =	simm.s32 $0x8400;
	s10 =	simm.s32 $0xA;
	[dreg:$0xf] =	wrdreg s24  }
0x19: {  	s14 =	simm.s32 $0x0;
	s23 =	sadd.s32 $0x400, s8;
	[dreg:$0x10] =	wrdreg s26  }
0x1a: {  	[dreg:$0x11] =	wrdreg s5;
	s18 =	simm.s32 $0x80;
	s26 =	simm.s32 $0x10400  }
0x1b: {  	s8 =	simm.s32 $0x9;
	s24 =	simm.s32 $0x400;
	[dreg:$0x4] =	wrdreg s23  }
.LBB2_1:
0x1c: {  	[dreg:$0x13] =	wrdreg s14  }
0x1d: {  	s5 =	rddreg [dreg:$0x8]  }
0x1e: {  	[tilespmem:s3], [sflag:$0xB] =	stream.linear.gather [hbm4b:s5+s3], $0x80, $0x38;
	[tilespmem:$0x14400] =	vst v63  }
0x1f: {  	_ =	swait.ge [sflag:s17], $0x80  }
0x20: {  	[sflag:s17] =	ssyncset.done $0x0  }
0x21: {  	[sflag:s17] =	ssyncadd.s32 $0xFFFFFF80  }
0x22: {  	[tilespmem:s6], [sflag:$0x1] =	stream.indirect.gather [hbm4b:s4+s18], $0x80, s3, s18, $0xb8;
	[tilespmem:$0x14400] =	vst v63  }
0x23: {  	s6 =	rddreg [dreg:$0x9]  }
0x24: {  	[tilespmem:s18], [sflag:$0xB] =	stream.linear.gather [hbm4b:s6+s3], $0x80, $0x38;
	[tilespmem:$0x14400] =	vst v63  }
0x25: {  	_ =	swait.ge [sflag:s17], $0x80  }
0x26: {  	[sflag:s17] =	ssyncset.done $0x0  }
0x27: {  	[sflag:s17] =	ssyncadd.s32 $0xFFFFFF80  }
0x28: {  	[tilespmem:s11], [sflag:$0x2] =	stream.indirect.gather [hbm4b:s4+s18], $0x80, s18, s18, $0xb8;
	[tilespmem:$0x14400] =	vst v63  }
0x29: {  	s14 =	simm.s32 $0x100;
	s11 =	rddreg [dreg:$0xa]  }
0x2a: {  	[tilespmem:s14], [sflag:$0xB] =	stream.linear.gather [hbm4b:s11+s3], $0x80, $0x38;
	[tilespmem:$0x14400] =	vst v63  }
0x2b: {  	_ =	swait.ge [sflag:s17], $0x80  }
0x2c: {  	[sflag:s17] =	ssyncset.done $0x0  }
0x2d: {  	[sflag:s17] =	ssyncadd.s32 $0xFFFFFF80  }
0x2e: {  	[tilespmem:s12], [sflag:$0x3] =	stream.indirect.gather [hbm4b:s4+s18], $0x80, s14, s18, $0xb8;
	[tilespmem:$0x14400] =	vst v63  }
0x2f: {  	s16 =	simm.s32 $0x180;
	s15 =	rddreg [dreg:$0xb]  }
0x30: {  	[tilespmem:s16], [sflag:$0xB] =	stream.linear.gather [hbm4b:s15+s3], $0x80, $0x38;
	[tilespmem:$0x14400] =	vst v63  }
0x31: {  	_ =	swait.ge [sflag:s17], $0x80  }
0x32: {  	[sflag:s17] =	ssyncset.done $0x0  }
0x33: {  	[sflag:s17] =	ssyncadd.s32 $0xFFFFFF80  }
0x34: {  	[tilespmem:s13], [sflag:$0x4] =	stream.indirect.gather [hbm4b:s4+s18], $0x80, s16, s18, $0xb8;
	[tilespmem:$0x14400] =	vst v63  }
0x35: {  	s19 =	rddreg [dreg:$0xc]  }
0x36: {  	[tilespmem:s25], [sflag:$0xB] =	stream.linear.gather [hbm4b:s19+s3], $0x80, $0x38;
	[tilespmem:$0x14400] =	vst v63  }
0x37: {  	_ =	swait.ge [sflag:s17], $0x80  }
0x38: {  	s21 =	simm.s32 $0x50;
	[sflag:s17] =	ssyncset.done $0x0  }
0x39: {  	s23 =	simm.s32 $0x60;
	s6 =	sand.u32 $0x70, s21;
	[sflag:s17] =	ssyncadd.s32 $0xFFFFFF80  }
0x3a: {  	[tilespmem:s26], [sflag:$0x5] =	stream.indirect.gather [hbm4b:s4+s18], $0x80, s25, s18, $0xb8;
	[tilespmem:$0x14400] =	vst v63  }
0x3b: {  	s11 =	sand.u32 $0x70, s23;
	s12 =	simm.s32 $0x90;
	_ =	swait.ge [sflag:s28], $0x4000  }
0x3c: {  	s15 =	simm.s32 $0x0;
	s16 =	simm.s32 $0xE0;
	s20 =	rddreg [dreg:$0x5]  }
0x3d: {  	s13 =	simm.s32 $0x0;
	s19 =	sadd.s32 s1, s6;
	s22 =	rddreg [dreg:$0x6]  }
0x3e: {  	[sflag:s28] =	ssyncset.done $0x0;
	s5 =	rddreg [dreg:$0x7];
	s14 =	sadd.s32 $0x90, s20  }
0x3f: {  	[sflag:s28] =	ssyncadd.s32 $0xFFFFC000;
	s6 =	sadd.s32 s5, s22;
	s21 =	sadd.s32 $0xFFFFFFC0, s14  }
.LBB2_2:
0x40: {  	[hbm4b:s6+s3] =	stream.linear.scatter [tilespmem:s24], [sflag:$0x6], $0x4000, $0x38;
	[tilespmem:$0x14400] =	vst v63  }
0x41: {  	s20 =	sand.u32 $0xFFFFF80, s21  }
0x42: {  	s20 =	sadd.s32 s20, s19  }
0x43: {  	[tilespmem:s3], [sflag:$0xB] =	stream.linear.gather [hbm4b:s20+s3], $0x80, $0x38;
	[tilespmem:$0x14400] =	vst v63  }
0x44: {  	_ =	swait.ge [sflag:s17], $0x80  }
0x45: {  	[sflag:s17] =	ssyncset.done $0x0  }
0x46: {  	[sflag:s17] =	ssyncadd.s32 $0xFFFFFF80  }
0x47: {  	_ =	swait.ge [sflag:s29], $0x4000  }
0x48: {  	s6 =	smov.u32 s16;
	[sflag:s29] =	ssyncset.done $0x0  }
0x49: {  	s21 =	sadd.s32 $0xFFFFFFD0, s14;
	s22 =	sadd.s32 $0xFFFFFFE0, s14;
	[sflag:s29] =	ssyncadd.s32 $0xFFFFC000  }
0x4a: {  	[tilespmem:s24], [sflag:$0x1] =	stream.indirect.gather [hbm4b:s4+s18], $0x80, s3, s18, $0xb8;
	[tilespmem:$0x14400] =	vst v63  }
0x4b: {  	s23 =	sadd.s32 s1, s11;
	p0 =	sne.s32 s16, $0xC70;
	_ =	swait.ge [sflag:s30], $0x4000  }
0x4c: {  	s19 =	sand.u32 $0xFFFFF80, s22;
	s20 =	sadd.s32 $0x50, s16;
	s16 =	rddreg [dreg:$0x3]  }
0x4d: {  	s21 =	sand.u32 $0xFFFFF80, s21;
	[sflag:s30] =	ssyncset.done $0x0;
	s11 =	sadd.s32 s5, s16  }
0x4e: {  	s22 =	simm.s32 $0x4400;
	[sflag:s30] =	ssyncadd.s32 $0xFFFFC000;
	s16 =	sadd.s32 $0x800, s11  }
0x4f: {  	[hbm4b:s16+s3] =	stream.linear.scatter [tilespmem:s22], [sflag:$0x7], $0x4000, $0x38;
	[tilespmem:$0x14400] =	vst v63  }
0x50: {  	s21 =	sadd.s32 s21, s23  }
0x51: {  	[tilespmem:s18], [sflag:$0xB] =	stream.linear.gather [hbm4b:s21+s3], $0x80, $0x38;
	[tilespmem:$0x14400] =	vst v63  }
0x52: {  	_ =	swait.ge [sflag:s17], $0x80  }
0x53: {  	[sflag:s17] =	ssyncset.done $0x0  }
0x54: {  	[sflag:s17] =	ssyncadd.s32 $0xFFFFFF80  }
0x55: {  	_ =	swait.ge [sflag:s31], $0x4000  }
0x56: {  	[sflag:s31] =	ssyncset.done $0x0  }
0x57: {  	[sflag:s31] =	ssyncadd.s32 $0xFFFFC000  }
0x58: {  	[tilespmem:s22], [sflag:$0x2] =	stream.indirect.gather [hbm4b:s4+s18], $0x80, s18, s18, $0xb8;
	[tilespmem:$0x14400] =	vst v63  }
0x59: {  	s22 =	sadd.s32 $0xFFFFFFE0, s12;
	_ =	swait.ge [sflag:s0], $0x4000  }
0x5a: {  	s23 =	sadd.s32 $0x1000, s11;
	s16 =	sand.u32 $0x70, s22;
	[sflag:s0] =	ssyncset.done $0x0  }
0x5b: {  	s22 =	simm.s32 $0x8400;
	s16 =	sadd.s32 s1, s16;
	[sflag:s0] =	ssyncadd.s32 $0xFFFFC000  }
0x5c: {  	[hbm4b:s23+s3] =	stream.linear.scatter [tilespmem:s22], [sflag:$0x8], $0x4000, $0x38;
	[tilespmem:$0x14400] =	vst v63  }
0x5d: {  	s16 =	sadd.s32 s19, s16;
	s23 =	simm.s32 $0x100  }
0x5e: {  	[tilespmem:s23], [sflag:$0xB] =	stream.linear.gather [hbm4b:s16+s3], $0x80, $0x38;
	[tilespmem:$0x14400] =	vst v63  }
0x5f: {  	_ =	swait.ge [sflag:s17], $0x80  }
0x60: {  	[sflag:s17] =	ssyncset.done $0x0  }
0x61: {  	[sflag:s17] =	ssyncadd.s32 $0xFFFFFF80  }
0x62: {  	_ =	swait.ge [sflag:s2], $0x4000  }
0x63: {  	[sflag:s2] =	ssyncset.done $0x0  }
0x64: {  	[sflag:s2] =	ssyncadd.s32 $0xFFFFC000  }
0x65: {  	[tilespmem:s22], [sflag:$0x3] =	stream.indirect.gather [hbm4b:s4+s18], $0x80, s23, s18, $0xb8;
	[tilespmem:$0x14400] =	vst v63  }
0x66: {  	_ =	swait.ge [sflag:s7], $0x4000  }
0x67: {  	s19 =	simm.s32 $0xC400;
	s21 =	rddreg [dreg:$0x4]  }
0x68: {  	s22 =	sand.u32 $0x380, s13;
	[sflag:s7] =	ssyncset.done $0x0;
	s16 =	sadd.s32 s13, s21  }
0x69: {  	s23 =	sadd.s32 $0x1800, s11;
	[sflag:s7] =	ssyncadd.s32 $0xFFFFC000;
	s16 =	sand.u32 $0x7FFFFC00, s16  }
0x6a: {  	[hbm4b:s23+s3] =	stream.linear.scatter [tilespmem:s19], [sflag:$0x9], $0x4000, $0x38;
	[tilespmem:$0x14400] =	vst v63  }
0x6b: {  	s16 =	sor.u32 s22, s16  }
0x6c: {  	s16 =	sshrl.u32 s16, $0x3  }
0x6d: {  	s21 =	simm.s32 $0x180;
	s16 =	sadd.s32 s1, s16  }
0x6e: {  	[tilespmem:s21], [sflag:$0xB] =	stream.linear.gather [hbm4b:s16+s3], $0x80, $0x38;
	[tilespmem:$0x14400] =	vst v63  }
0x6f: {  	_ =	swait.ge [sflag:s17], $0x80  }
0x70: {  	[sflag:s17] =	ssyncset.done $0x0  }
0x71: {  	[sflag:s17] =	ssyncadd.s32 $0xFFFFFF80  }
0x72: {  	_ =	swait.ge [sflag:s8], $0x4000  }
0x73: {  	[sflag:s8] =	ssyncset.done $0x0  }
0x74: {  	[sflag:s8] =	ssyncadd.s32 $0xFFFFC000  }
0x75: {  	[tilespmem:s19], [sflag:$0x4] =	stream.indirect.gather [hbm4b:s4+s18], $0x80, s21, s18, $0xb8;
	[tilespmem:$0x14400] =	vst v63  }
0x76: {  	_ =	swait.ge [sflag:s9], $0x4000  }
0x77: {  	s14 =	sand.u32 $0xFFFFF80, s14;
	s22 =	sand.u32 $0x70, s12;
	[sflag:s9] =	ssyncset.done $0x0  }
0x78: {  	s11 =	sadd.s32 $0x2000, s11;
	s23 =	sadd.s32 s1, s22;
	[sflag:s9] =	ssyncadd.s32 $0xFFFFC000  }
0x79: {  	[hbm4b:s11+s3] =	stream.linear.scatter [tilespmem:s26], [sflag:$0xA], $0x4000, $0x38;
	[tilespmem:$0x14400] =	vst v63  }
0x7a: {  	s16 =	sadd.s32 s14, s23  }
0x7b: {  	[tilespmem:s25], [sflag:$0xB] =	stream.linear.gather [hbm4b:s16+s3], $0x80, $0x38;
	[tilespmem:$0x14400] =	vst v63  }
0x7c: {  	_ =	swait.ge [sflag:s17], $0x80  }
0x7d: {  	[sflag:s17] =	ssyncset.done $0x0  }
0x7e: {  	[sflag:s17] =	ssyncadd.s32 $0xFFFFFF80  }
0x7f: {  	_ =	swait.ge [sflag:s10], $0x4000  }
0x80: {  	s15 =	sadd.s32 $0x280, s15;
	s5 =	sadd.s32 $0x2800, s5;
	[sflag:s10] =	ssyncset.done $0x0  }
0x81: {  	s13 =	smov.u32 s15;
	s12 =	smov.u32 s6;
	[sflag:s10] =	ssyncadd.s32 $0xFFFFC000  }
0x82: {  	[tilespmem:s26], [sflag:$0x5] =	stream.indirect.gather [hbm4b:s4+s18], $0x80, s25, s18, $0xb8;
	[tilespmem:$0x14400] =	vst v63  }
.Ltmp0:
0x83: {  	s21 =	sadd.s32 $0xFFFFFFC0, s12;
	_ =	swait.ge [sflag:s28], $0x4000;
	(pc) =	sbr.rel @p0 .LBB2_2-.Ltmp0, $4  }
0x84: {  	s23 =	sadd.s32 $0xFFFFFFD0, s12;
	s11 =	sand.u32 $0x70, s21;
	s19 =	rddreg [dreg:$0x5]  }
0x85: {  	s16 =	smov.u32 s20;
	s22 =	rddreg [dreg:$0x6];
	[sflag:s28] =	ssyncset.done $0x0  }
0x86: {  	s14 =	sadd.s32 s12, s19;
	s19 =	sadd.s32 s1, s11;
	s11 =	sand.u32 $0x70, s23  }
0x87: {  	[sflag:s28] =	ssyncadd.s32 $0xFFFFC000;
	s6 =	sadd.s32 s5, s22;
	s21 =	sadd.s32 $0xFFFFFFC0, s14  }
0x88: {  	s15 =	simm.s32 $0x400;
	s23 =	sand.u32 $0xFFFFF80, s21  }
0x89: {  	[hbm4b:s6+s3] =	stream.linear.scatter [tilespmem:s15], [sflag:$0x6], $0x4000, $0x38;
	[tilespmem:$0x14400] =	vst v63  }
0x8a: {  	s6 =	sadd.s32 s23, s19  }
0x8b: {  	[tilespmem:s3], [sflag:$0xB] =	stream.linear.gather [hbm4b:s6+s3], $0x80, $0x38;
	[tilespmem:$0x14400] =	vst v63  }
0x8c: {  	_ =	swait.ge [sflag:s17], $0x80  }
0x8d: {  	[sflag:s17] =	ssyncset.done $0x0  }
0x8e: {  	[sflag:s17] =	ssyncadd.s32 $0xFFFFFF80  }
0x8f: {  	_ =	swait.ge [sflag:s29], $0x4000  }
0x90: {  	[sflag:s29] =	ssyncset.done $0x0  }
0x91: {  	[sflag:s29] =	ssyncadd.s32 $0xFFFFC000  }
0x92: {  	[tilespmem:s15], [sflag:$0x1] =	stream.indirect.gather [hbm4b:s4+s18], $0x80, s3, s18, $0xb8;
	[tilespmem:$0x14400] =	vst v63  }
0x93: {  	_ =	swait.ge [sflag:s30], $0x4000  }
0x94: {  	s16 =	rddreg [dreg:$0x3]  }
0x95: {  	s19 =	sadd.s32 $0xFFFFFFD0, s14;
	[sflag:s30] =	ssyncset.done $0x0;
	s5 =	sadd.s32 s5, s16  }
0x96: {  	[sflag:s30] =	ssyncadd.s32 $0xFFFFC000;
	s16 =	simm.s32 $0x4400;
	s6 =	sadd.s32 $0x800, s5  }
0x97: {  	[hbm4b:s6+s3] =	stream.linear.scatter [tilespmem:s16], [sflag:$0x7], $0x4000, $0x38;
	[tilespmem:$0x14400] =	vst v63  }
0x98: {  	s11 =	sadd.s32 s1, s11;
	s6 =	sand.u32 $0xFFFFF80, s19  }
0x99: {  	s6 =	sadd.s32 s6, s11  }
0x9a: {  	[tilespmem:s18], [sflag:$0xB] =	stream.linear.gather [hbm4b:s6+s3], $0x80, $0x38;
	[tilespmem:$0x14400] =	vst v63  }
0x9b: {  	_ =	swait.ge [sflag:s17], $0x80  }
0x9c: {  	[sflag:s17] =	ssyncset.done $0x0  }
0x9d: {  	[sflag:s17] =	ssyncadd.s32 $0xFFFFFF80  }
0x9e: {  	_ =	swait.ge [sflag:s31], $0x4000  }
0x9f: {  	[sflag:s31] =	ssyncset.done $0x0  }
0xa0: {  	s20 =	sadd.s32 $0xFFFFFFE0, s12;
	[sflag:s31] =	ssyncadd.s32 $0xFFFFC000  }
0xa1: {  	[tilespmem:s16], [sflag:$0x2] =	stream.indirect.gather [hbm4b:s4+s18], $0x80, s18, s18, $0xb8;
	[tilespmem:$0x14400] =	vst v63  }
0xa2: {  	s22 =	sadd.s32 $0xFFFFFFE0, s14;
	s21 =	sadd.s32 $0x1000, s5;
	_ =	swait.ge [sflag:s0], $0x4000  }
0xa3: {  	s19 =	simm.s32 $0x8400;
	s6 =	sand.u32 $0x70, s20;
	[sflag:s0] =	ssyncset.done $0x0  }
0xa4: {  	s11 =	sand.u32 $0xFFFFF80, s22;
	s6 =	sadd.s32 s1, s6;
	[sflag:s0] =	ssyncadd.s32 $0xFFFFC000  }
0xa5: {  	[hbm4b:s21+s3] =	stream.linear.scatter [tilespmem:s19], [sflag:$0x8], $0x4000, $0x38;
	[tilespmem:$0x14400] =	vst v63  }
0xa6: {  	s23 =	simm.s32 $0x100;
	s6 =	sadd.s32 s11, s6  }
0xa7: {  	[tilespmem:s23], [sflag:$0xB] =	stream.linear.gather [hbm4b:s6+s3], $0x80, $0x38;
	[tilespmem:$0x14400] =	vst v63  }
0xa8: {  	_ =	swait.ge [sflag:s17], $0x80  }
0xa9: {  	[sflag:s17] =	ssyncset.done $0x0  }
0xaa: {  	[sflag:s17] =	ssyncadd.s32 $0xFFFFFF80  }
0xab: {  	_ =	swait.ge [sflag:s2], $0x4000  }
0xac: {  	[sflag:s2] =	ssyncset.done $0x0  }
0xad: {  	[sflag:s2] =	ssyncadd.s32 $0xFFFFC000  }
0xae: {  	[tilespmem:s19], [sflag:$0x3] =	stream.indirect.gather [hbm4b:s4+s18], $0x80, s23, s18, $0xb8;
	[tilespmem:$0x14400] =	vst v63  }
0xaf: {  	_ =	swait.ge [sflag:s7], $0x4000  }
0xb0: {  	s22 =	sadd.s32 $0x1800, s5;
	s20 =	rddreg [dreg:$0x4]  }
0xb1: {  	s21 =	sand.u32 $0x380, s13;
	[sflag:s7] =	ssyncset.done $0x0;
	s6 =	sadd.s32 s13, s20  }
0xb2: {  	[sflag:s7] =	ssyncadd.s32 $0xFFFFC000;
	s20 =	simm.s32 $0xC400;
	s6 =	sand.u32 $0x7FFFFC00, s6  }
0xb3: {  	[hbm4b:s22+s3] =	stream.linear.scatter [tilespmem:s20], [sflag:$0x9], $0x4000, $0x38;
	[tilespmem:$0x14400] =	vst v63  }
0xb4: {  	s6 =	sor.u32 s21, s6  }
0xb5: {  	s6 =	sshrl.u32 s6, $0x3  }
0xb6: {  	s23 =	simm.s32 $0x180;
	s6 =	sadd.s32 s1, s6  }
0xb7: {  	[tilespmem:s23], [sflag:$0xB] =	stream.linear.gather [hbm4b:s6+s3], $0x80, $0x38;
	[tilespmem:$0x14400] =	vst v63  }
0xb8: {  	_ =	swait.ge [sflag:s17], $0x80  }
0xb9: {  	[sflag:s17] =	ssyncset.done $0x0  }
0xba: {  	[sflag:s17] =	ssyncadd.s32 $0xFFFFFF80  }
0xbb: {  	_ =	swait.ge [sflag:s8], $0x4000  }
0xbc: {  	[sflag:s8] =	ssyncset.done $0x0  }
0xbd: {  	[sflag:s8] =	ssyncadd.s32 $0xFFFFC000  }
0xbe: {  	[tilespmem:s20], [sflag:$0x4] =	stream.indirect.gather [hbm4b:s4+s18], $0x80, s23, s18, $0xb8;
	[tilespmem:$0x14400] =	vst v63  }
0xbf: {  	_ =	swait.ge [sflag:s9], $0x4000  }
0xc0: {  	[sflag:s9] =	ssyncset.done $0x0  }
0xc1: {  	s12 =	sand.u32 $0x70, s12;
	s5 =	sadd.s32 $0x2000, s5;
	[sflag:s9] =	ssyncadd.s32 $0xFFFFC000  }
0xc2: {  	[hbm4b:s5+s3] =	stream.linear.scatter [tilespmem:s26], [sflag:$0xA], $0x4000, $0x38;
	[tilespmem:$0x14400] =	vst v63  }
0xc3: {  	s13 =	sand.u32 $0xFFFFF80, s14;
	s5 =	sadd.s32 s1, s12  }
0xc4: {  	s5 =	sadd.s32 s13, s5  }
0xc5: {  	[tilespmem:s25], [sflag:$0xB] =	stream.linear.gather [hbm4b:s5+s3], $0x80, $0x38;
	[tilespmem:$0x14400] =	vst v63  }
0xc6: {  	_ =	swait.ge [sflag:s17], $0x80  }
0xc7: {  	[sflag:s17] =	ssyncset.done $0x0  }
0xc8: {  	[sflag:s17] =	ssyncadd.s32 $0xFFFFFF80  }
0xc9: {  	_ =	swait.ge [sflag:s10], $0x4000  }
0xca: {  	[sflag:s10] =	ssyncset.done $0x0  }
0xcb: {  	[sflag:s10] =	ssyncadd.s32 $0xFFFFC000  }
0xcc: {  	[tilespmem:s26], [sflag:$0x5] =	stream.indirect.gather [hbm4b:s4+s18], $0x80, s25, s18, $0xb8;
	[tilespmem:$0x14400] =	vst v63  }
0xcd: {  	_ =	swait.ge [sflag:s28], $0x4000  }
0xce: {  	[sflag:s28] =	ssyncset.done $0x0  }
0xcf: {  	s14 =	rddreg [dreg:$0xd];
	[sflag:s28] =	ssyncadd.s32 $0xFFFFC000  }
0xd0: {  	[hbm4b:s14+s3] =	stream.linear.scatter [tilespmem:s15], [sflag:$0x6], $0x4000, $0x38;
	[tilespmem:$0x14400] =	vst v63  }
0xd1: {  	_ =	swait.ge [sflag:s30], $0x4000  }
0xd2: {  	[sflag:s30] =	ssyncset.done $0x0  }
0xd3: {  	s15 =	rddreg [dreg:$0xe];
	[sflag:s30] =	ssyncadd.s32 $0xFFFFC000  }
0xd4: {  	[hbm4b:s15+s3] =	stream.linear.scatter [tilespmem:s16], [sflag:$0x7], $0x4000, $0x38;
	[tilespmem:$0x14400] =	vst v63  }
0xd5: {  	_ =	swait.ge [sflag:s0], $0x4000  }
0xd6: {  	[sflag:s0] =	ssyncset.done $0x0  }
0xd7: {  	s16 =	rddreg [dreg:$0xf];
	[sflag:s0] =	ssyncadd.s32 $0xFFFFC000  }
0xd8: {  	[hbm4b:s16+s3] =	stream.linear.scatter [tilespmem:s19], [sflag:$0x8], $0x4000, $0x38;
	[tilespmem:$0x14400] =	vst v63  }
0xd9: {  	_ =	swait.ge [sflag:s7], $0x4000  }
0xda: {  	[sflag:s7] =	ssyncset.done $0x0  }
0xdb: {  	s19 =	rddreg [dreg:$0x10];
	[sflag:s7] =	ssyncadd.s32 $0xFFFFC000  }
0xdc: {  	[hbm4b:s19+s3] =	stream.linear.scatter [tilespmem:s20], [sflag:$0x9], $0x4000, $0x38;
	[tilespmem:$0x14400] =	vst v63  }
0xdd: {  	_ =	swait.ge [sflag:s9], $0x4000  }
0xde: {  	[sflag:s9] =	ssyncset.done $0x0  }
0xdf: {  	s21 =	rddreg [dreg:$0x11];
	[sflag:s9] =	ssyncadd.s32 $0xFFFFC000  }
0xe0: {  	[hbm4b:s21+s3] =	stream.linear.scatter [tilespmem:s26], [sflag:$0xA], $0x4000, $0x38;
	[tilespmem:$0x14400] =	vst v63  }
0xe1: {  	_ =	swait.ge [sflag:s29], $0x4000  }
0xe2: {  	[sflag:s29] =	ssyncset.done $0x0  }
0xe3: {  	[sflag:s29] =	ssyncadd.s32 $0xFFFFC000  }
0xe4: {  	_ =	swait.ge [sflag:s31], $0x4000  }
0xe5: {  	[sflag:s31] =	ssyncset.done $0x0  }
0xe6: {  	[sflag:s31] =	ssyncadd.s32 $0xFFFFC000  }
0xe7: {  	_ =	swait.ge [sflag:s2], $0x4000  }
0xe8: {  	[sflag:s2] =	ssyncset.done $0x0  }
0xe9: {  	[sflag:s2] =	ssyncadd.s32 $0xFFFFC000  }
0xea: {  	_ =	swait.ge [sflag:s8], $0x4000  }
0xeb: {  	[sflag:s8] =	ssyncset.done $0x0  }
0xec: {  	[sflag:s8] =	ssyncadd.s32 $0xFFFFC000  }
0xed: {  	_ =	swait.ge [sflag:s10], $0x4000  }
0xee: {  	s22 =	rddreg [dreg:$0x13]  }
0xef: {  	s23 =	rddreg [dreg:$0x12];
	s14 =	sadd.s32 $0x1, s22  }
0xf0: {  	p0 =	sne.s32 s14, s23  }
.Ltmp1:
0xf1: {  	_ = 	snop;
	(pc) =	sbr.rel @p0 .LBB2_1-.Ltmp1, $3  }
0xf2: {  	_ =	sdelay $0x1  }
0xf3: {  	s11 =	simm.s32 $0x4400;
	s6 =	simm.s32 $0x400;
	[sflag:s10] =	ssyncset.done $0x0  }
0xf4: {  	s12 =	simm.s32 $0x8400;
	s13 =	simm.s32 $0xC400;
	[sflag:s10] =	ssyncadd.s32 $0xFFFFC000  }
0xf5: {  	_ =	sfence.sel $0x180000  }
0xf6: {  	[bflag:$0x0] =	sbarrier.arrive $0xFFFF  }
0xf7: {  	_ =	strace $0x90000047  }
0xf8: {  	s0 =	stileid.u32;
	[bflag:$0x2] =	sbarrier.arrive $0xFFFF  }
0xf9: {  	p0 =	sne.s32 s0, $0x0;
	s0 =	rddreg [dreg:$0x2]  }
0xfa: {  	s0 =	sadd.s32 @!p0 $0x100000, s0  }
0xfb: {  	[sflag:s0] =	ssyncadd.tile.s32 @!p0 $0x1;
	_ =	shalt  }
.Lfunc_end2:
_tile_overlayer_lowered:
.L_overlay_start_2:
0xfc: {  	(tag) =	ssettag $0x2  }
0xfd: {  	s0 =	rddreg [dreg:$0x0];
	s2 =	stileid.u32  }
0xfe: {  	s1 =	rddreg [dreg:$0x1];
	p0 =	sne.s32 s2, $0x0  }
0xff: {  	s3 =	rddreg [dreg:$0x2];
	[bflag:$0x3] =	sbarrier.arrive $0xFFFF;
	s2 =	simm.s32 @!p0 $0x1C0B  }
0x100: {  	[timem:s3], [sflag:s2] =	dma.local @!p0 [hbm:s0], s1  }
0x101: {  	s0 =	simm.s32 @!p0 $0xB  }
0x102: {  	_ =	swait.ge @!p0 [sflag:s0], s1  }
0x103: {  	s1 =	ssub.s32 @!p0 $0x0, s1;
	[sflag:s0] =	ssyncset.done @!p0 $0x0  }
0x104: {  	[sflag:s0] =	ssyncadd.s32 @!p0 s1  }
0x105: {  	[bflag:$0x3] =	sbarrier.arrive $0xFFFF  }
0x106: {  	_ =	shalt  }

// kernel: sparse-core-data-format-call.cloned.1.call-start
scs
called_computation_lowered:
.L_overlay_start_0:
0x0: {  	s2 =	sld [smem:$0x3FD9]  }
0x1: {  	s3 =	sld [smem:$0x3FFE];
	_ =	sdelay $0x1  }
0x2: {  	s1 =	srdreg.scid  }
0x3: {  	s0 =	sand.u32 $0x1, s1  }
0x4: {  	s18 =	sshll.u32 s0, $0xA;
	s2 =	sadd.s32 s3, s2  }
0x5: {  	s2 =	sadd.s32 s2, s18  }
0x6: {  	[smem:$0x3FC6] =	sst s2  }
0x7: {  	_ = 	snop  }
0x8: {  	s2 =	sld [smem:$0x3FD0];
	(tm) =	ssettm $0x1  }
0x9: {  	s19 =	sld [smem:$0x3FFB];
	_ =	sdelay $0x3  }
0xa: {  	_ =	strace s19  }
0xb: {  	s3 =	sld [smem:$0x3FFC];
	_ =	sdelay $0x3  }
0xc: {  	_ =	strace s3  }
0xd: {  	s3 =	sld [smem:$0x3FFD];
	_ =	sdelay $0x3  }
0xe: {  	_ =	strace s3  }
0xf: {  	_ =	strace $0x8FFFFFFF  }
0x10: {  	s20 =	sld [smem:$0x3FDB];
	_ =	sdelay $0x1  }
0x11: {  	s4 =	simm.s32 $_scs_section_size  }
0x12: {  	s5 =	simm.s32 $_size__tile_overlayer_lowered;
	s6 =	simm.s32 $_tile_overlayer_lowered  }
0x13: {  	s23 =	simm.s32 $0x1BFF;
	s22 =	sshll.u32 s6, $0x1;
	s3 =	sadd.s32 s4, s20  }
0x14: {  	s7 =	simm.s32 $0x0;
	s21 =	sshll.u32 s5, $0x1;
	s5 =	sadd.s32 s22, s3  }
0x15: {  	[timem:s7], [sflag:s23] =	dma.local [hbm:s5], s21  }
0x16: {  	_ =	swait.ge [sflag:s23], s21  }
0x17: {  	s4 =	ssub.s32 $0x0, s21;
	[sflag:s23] =	ssyncset.done $0x0  }
0x18: {  	[sflag:s23] =	ssyncadd.s32 s4;
	_ =	sdelay $0x1  }
0x19: {  	s24 =	simm.s32 $0x1B8B  }
0x1a: {  	_ =	swait.ge [sflag:s24], $0x1  }
0x1b: {  	[sflag:s24] =	ssyncset.done $0x0  }
0x1c: {  	s26 =	simm.s32 $0x1B8E;
	s25 =	sld [smem:$0x3FFE];
	[sflag:s24] =	ssyncadd.s32 $0xFFFFFFFF  }
0x1d: {  	s27 =	simm.s32 $execute0_lowered;
	[smem:$0x3FD2] =	sst s26  }
0x1e: {  	s5 =	sshll.u32 s27, $0x1;
	_ =	strace $0x80000049;
	[dreg:$0x1] =	wrdreg $0xFFFFFFFF  }
0x1f: {  	s28 =	simm.s32 $_size_execute0_lowered;
	s3 =	sadd.s32 s3, s5;
	[dreg:$0x0] =	wrdreg $0x0  }
0x20: {  	s5 =	sshll.u32 s28, $0x1;
	[dreg:$0x2] =	wrdreg s3  }
0x21: {  	[dreg:$0x3] =	wrdreg s5  }
0x22: {  	[dreg:$0x4] =	wrdreg $0xC0  }
0x23: {  	_ =	task [dreg:s7], $0x5FFFF  }
0x24: {  	[dreg:$0x1] =	wrdreg $0xFFFFFFFF  }
0x25: {  	[dreg:$0x0] =	wrdreg $0x60  }
0x26: {  	[dreg:$0x2] =	wrdreg s25  }
0x27: {  	[dreg:$0x3] =	wrdreg s2  }
0x28: {  	[dreg:$0x4] =	wrdreg $0x9  }
0x29: {  	_ =	task.clear_ibuf [dreg:s7], $0x5FFFF;
	_ =	strace $0x90000049  }
0x2a: {  	s29 =	simm.s32 $0x9;
	_ =	strace $0x8000004B  }
0x2b: {  	_ =	swait.ge [sflag:s29], $0x1  }
0x2c: {  	[sflag:s29] =	ssyncadd.s32 $0xFFFFFFFF  }
0x2d: {  	_ =	strace $0x9000004B  }
0x2e: {  	_ =	sfence  }
0x2f: {  	s30 =	sld [smem:$0x0];
	_ =	sdelay $0x2  }
0x30: {  	s31 =	sshll.u32 s1, $0xD;
	s1 =	sshrl.u32 s1, $0x2  }
0x31: {  	s3 =	sand.u32 $0x4000, s31;
	s1 =	sadd.s32 s1, s30  }
0x32: {  	s0 =	sor.u32 s3, s0;
	s1 =	sshll.u32 s1, $0x11  }
0x33: {  	s0 =	sor.u32 s1, s0  }
0x34: {  	s0 =	sadd.s32 $0x8F2B, s0  }
0x35: {  	[sflag:s0] =	ssyncadd.remote.s32 $0x1  }
0x36: {  	_ =	sfence.sel $0xFFFF  }
0x37: {  	[dreg:$0x0] =	wrdreg $0xFFFFFFFF;
	(pc) =	sbr.abs _section_cstart, $3  }
0x38: {  	[dreg:$0x1] =	wrdreg $0xFFFFFFFF  }
0x39: {  	_ =	task.clear_ibuf [dreg:s7], $0x2FFFF;
	_ =	strace $0x9FFFFFFF  }
0x3a: {  	(tm) =	ssettm $0x7FFFFFFF  }
0x3b: {  	_ =	shalt  }
tec
execute0_lowered:
.L_overlay_start_1:
0x0: {  	(tag) =	ssettag $0x1  }
0x1: {  	s0 =	srdreg.scid  }
0x2: {  	s1 =	sshll.u32 s0, $0x4  }
0x3: {  	s0 =	stileid.u32;
	s1 =	sand.u32 $0x10, s1  }
0x4: {  	s1 =	sor.u32 s0, s1  }
0x5: {  	s6 =	rddreg [dreg:$0x0];
	s4 =	simm.s32 $0x1;
	s2 =	sshll.u32 s1, $0x7  }
0x6: {  	s7 =	simm.s32 $0x2;
	s12 =	simm.s32 $0x0;
	s1 =	ssub.s32 $0x1000, s2  }
0x7: {  	s8 =	simm.s32 $0x8000;
	s13 =	simm.s32 $0x0;
	s3 =	sand.u32 $0xF80, s1  }
0x8: {  	s9 =	simm.s32 $0x0;
	s5 =	sshrl.u32 s1, $0xC;
	p0 =	sne.s32 s3, $0x0  }
.Ltmp0:
0x9: {  	s1 =	rddreg [dreg:$0x2];
	s4 =	simm.s32 @!p0 $0x0;
	(pc) =	sbr.rel .LBB1_1-.Ltmp0, $4  }
0xa: {  	s11 =	simm.s32 $0x0;
	s3 =	rddreg [dreg:$0x1];
	s5 =	sadd.s32 s4, s5  }
0xb: {  	_ =	strace $0x8000004A;
	s4 =	simm.s32 $0x1;
	s5 =	smul.u32 $0xC8, s5  }
0xc: {  	s6 =	sadd.s32 $0xA00, s6;
	s10 =	smov.u32 s2;
	[sflag:s4] =	ssyncpa.u1 $0x0  }
0xd: {  	p0 =	por $0x0, $0x0;
	[sflag:s7] =	ssyncpa.u1 $0x0;
	s7 =	sor.u32 $0x1, s5  }
.LBB1_4:
0xe: {  	s16 =	sshll.u32 s13, $0x3;
	s17 =	sand.u32 $0x78, s13  }
0xf: {  	s30 =	sand.u32 $0x7E00, s13;
	s12 =	sshll.u32 s12, $0xF;
	s16 =	sand.u32 $0xC00, s16  }
0x10: {  	[tilespmem:s15+$0x810 ss:$0x81] =	vst.msk $0xffff, v2;
	s31 =	sand.u32 $0x7, s13;
	s16 =	sor.u32 s17, s16;
	s17 =	sadd.s32 s3, s30  }
0x11: {  	[tilespmem:s15+$0x1020 ss:$0x81] =	vst.msk $0xffff, v0;
	s13 =	sshll.u32 s31, $0x12;
	s12 =	sadd.s32 s12, s17;
	s16 =	sshrl.u32 s16, $0x3  }
0x12: {  	[tilespmem:s15+$0x0 ss:$0x81] =	vst.msk $0xffff, v1;
	s13 =	sor.u32 $0x400, s13;
	s12 =	sadd.s32 s16, s12  }
0x13: {  	[hbm4b:s12+s13] =	stream.strided.scatter [tilespmem:s14], [sflag:$0x2], $0x2000, s8, s13, $0x20;
	[tilespmem:$0x8080] =	vst v63  }
.LBB1_5:
0x14: {  	s14 =	sadd.s32 $0x1, s9  }
0x15: {  	s12 =	sadd.s32 $0x1000, s10;
	s16 =	smov.u32 s10;
	p2 =	sgt.s32 s14, $0xC7  }
0x16: {  	s16 =	smov.u32 @p2 s12  }
0x17: {  	s14 =	simm.s32 @p2 $0x0;
	p2 =	sgt.s32 s16, $0xFFF  }
0x18: {  	s16 =	smov.u32 @p2 s2;
	p2 =	sne.s32 s11, s7  }
.Ltmp1:
0x19: {  	p1 =	slt.u32 s11, $0x2;
	(pc) =	sbr.rel @!p2 .LBB1_6-.Ltmp1, $4  }
0x1a: {  	s15 =	simm.s32 @!p1 $0x2  }
0x1b: {  	s13 =	smov.u32 s10;
	p0 =	por !p0, !p0;
	_ =	swait.ge @!p1 [sflag:s15], $0x2000  }
0x1c: {  	s12 =	smov.u32 s9;
	[sflag:s15] =	ssyncset.done @!p1 $0x0;
	s9 =	smov.u32 s14  }
0x1d: {  	s11 =	sadd.s32 $0x1, s11;
	[sflag:s15] =	ssyncadd.s32 @!p1 $0xFFFFE000;
	s10 =	smov.u32 s16  }
.LBB1_1:
0x1e: {  	p1 =	sge.u32 s11, s5  }
0x1f: {  	s14 =	sand.u32 @!p1 $0x1FFFFFF, s9  }
0x20: {  	s15 =	smulhi.u32 @!p1 $0x147AE15, s14;
	_ =	sdelay $0x1  }
0x21: {  	s15 =	smul.u32 @!p1 $0xC8, s15  }
0x22: {  	s16 =	sxor.u32 @!p1 $0xFFFFFFFF, s11;
	s17 =	smul.u32 @!p1 $0xC80, s10  }
0x23: {  	s31 =	sadd.s32 $0xFFFFFFFF, s11;
	s16 =	sshll.u32 @!p1 s16, $0xD;
	s14 =	ssub.s32 @!p1 s14, s15  }
0x24: {  	s15 =	sand.u32 @!p1 $0x2000, s16;
	s16 =	sadd.s32 @!p1 s6, s17;
	s14 =	sshll.u32 @!p1 s14, $0x4  }
0x25: {  	s17 =	simm.s32 @!p1 $0x6400;
	s14 =	sadd.s32 @!p1 s14, s16;
	s16 =	simm.s32 @!p1 $0x40  }
0x26: {  	[tilespmem:s15], [sflag:$0x1] =	stream.strided.gather @!p1 [hbm4b:s14+s16], $0x2000, s17, s16, $0x38;
	[tilespmem:$0x8080] =	vst v63  }
0x27: {  	p1 =	sge.u32 s31, s5  }
.Ltmp2:
0x28: {  	_ = 	snop;
	(pc) =	sbr.rel @p1 .LBB1_5-.Ltmp2, $1  }
0x29: {  	_ =	sdelay $0x3  }
0x2a: {  	s14 =	simm.s32 $0x1  }
0x2b: {  	_ =	swait.ge [sflag:s4], $0x2000;
	s14 =	simm.s32 @!p0 $0x0  }
0x2c: {  	[sflag:s4] =	ssyncset.done $0x0;
	s15 =	sshll.u32 s14, $0xD  }
0x2d: {  	[sflag:s4] =	ssyncadd.s32 $0xFFFFE000;
	s18 =	sor.u32 $0x20, s15  }
0x2e: {  	s14 =	smul.u32 $0x8100, s14;
	v3 =	vld [tilespmem:s18+$0x10]  }
0x2f: {  	s30 =	sand.u32 $0x1, s11;
	v2 =	vld [tilespmem:s18+$0xFFFFFFF0]  }
0x30: {  	s15 =	smul.u32 $0x8100, s30;
	s14 =	sshrl.u32 s14, $0x2;
	v0 =	vld [tilespmem:s18+$0x0]  }
0x31: {  	v1 =	vld [tilespmem:s18+$0xFFFFFFE0];
	s16 =	sor.u32 $0x4000, s14  }
0x32: {  	s31 =	sshrl.u32 s15, $0x2;
	s15 =	sadd.s32 $0x0, s16  }
0x33: {  	s17 =	simm.s32 $0x4;
	s18 =	sadd.s32 $0x40, s18;
	s14 =	sor.u32 $0x4000, s31;
	[tilespmem:s15+$0x1830 ss:$0x81] =	vst.msk $0xffff, v3  }
.LBB1_3:
0x34: {  	v3 =	vld [tilespmem:s18+$0x10];
	p1 =	sne.s32 s17, $0x1FC;
	[tilespmem:s15+$0x810 ss:$0x81] =	vst.msk $0xffff, v2;
	s19 =	smov.u32 s17;
	s17 =	sadd.s32 $0x4, s17  }
.Ltmp3:
0x35: {  	v2 =	vld [tilespmem:s18+$0xFFFFFFF0];
	[tilespmem:s15+$0x1020 ss:$0x81] =	vst.msk $0xffff, v0;
	(pc) =	sbr.rel @p1 .LBB1_3-.Ltmp3, $4  }
0x36: {  	v0 =	vld [tilespmem:s18+$0x0];
	[tilespmem:s15+$0x0 ss:$0x81] =	vst.msk $0xffff, v1  }
0x37: {  	s15 =	sshra.s32 s19, $0x2;
	v1 =	vld [tilespmem:s18+$0xFFFFFFE0]  }
0x38: {  	s15 =	sadd.s32 s15, s16  }
0x39: {  	s18 =	sadd.s32 $0x40, s18;
	[tilespmem:s15+$0x1830 ss:$0x81] =	vst.msk $0xffff, v3  }
.Ltmp4:
0x3a: {  	_ = 	snop;
	(pc) =	sbr.rel .LBB1_4-.Ltmp4, $1  }
0x3b: {  	_ =	sdelay $0x3  }
.LBB1_6:
0x3c: {  	_ =	sfence.sel $0x180000  }
0x3d: {  	s2 =	simm.s32 $0x1;
	[bflag:$0x0] =	sbarrier.arrive $0xFFFF  }
0x3e: {  	s31 =	simm.s32 $0x2;
	[sflag:s2] =	ssyncpa.u1 $0x1  }
0x3f: {  	[sflag:s31] =	ssyncpa.u1 $0x1  }
0x40: {  	p0 =	sne.s32 s0, $0x0;
	_ =	strace $0x9000004A  }
0x41: {  	s0 =	sadd.s32 @!p0 $0x100000, s1;
	[bflag:$0x2] =	sbarrier.arrive $0xFFFF  }
0x42: {  	[sflag:s0] =	ssyncadd.tile.s32 @!p0 $0x1;
	_ =	shalt  }
.Lfunc_end1:
_tile_overlayer_lowered:
.L_overlay_start_2:
0x43: {  	(tag) =	ssettag $0x2  }
0x44: {  	s0 =	rddreg [dreg:$0x0];
	s2 =	stileid.u32  }
0x45: {  	s1 =	rddreg [dreg:$0x1];
	p0 =	sne.s32 s2, $0x0  }
0x46: {  	s3 =	rddreg [dreg:$0x2];
	[bflag:$0x3] =	sbarrier.arrive $0xFFFF;
	s2 =	simm.s32 @!p0 $0x1C01  }
0x47: {  	[timem:s3], [sflag:s2] =	dma.local @!p0 [hbm:s0], s1  }
0x48: {  	s0 =	simm.s32 @!p0 $0x1  }
0x49: {  	_ =	swait.ge @!p0 [sflag:s0], s1  }
0x4a: {  	s1 =	ssub.s32 @!p0 $0x0, s1;
	[sflag:s0] =	ssyncset.done @!p0 $0x0  }
0x4b: {  	[sflag:s0] =	ssyncadd.s32 @!p0 s1  }
0x4c: {  	[bflag:$0x3] =	sbarrier.arrive $0xFFFF  }
0x4d: {  	_ =	shalt  }

</sc_bundles>
